<compile_context>
chip_gen: v7x
topology: tpu7x:2x2x1
jax: 0.10.2.dev20260603
libtpu: 0.0.44.dev20260713+nightly
codegen_flags: <defaults>
</compile_context>

<pallas_src>
import functools

import jax
import jax.numpy as jnp
from jax.experimental import pallas as pl
from jax.experimental.pallas import tpu as pltpu
from jax.experimental.pallas import tpu_sc as plsc

E = 8
TOPK = 2
D = 1024
DFF = 704
NSH = 2
T = 2048
RSF = 2.5
EPAD = 128

TM_C = 256
P = T * TOPK + E * TM_C
NT = P // TM_C
TME = 512

_SC_NC = 2
_SC_NS = 16
NW = _SC_NC * _SC_NS
TPW = T // NW



def _router_body(x_ref, gwp_ref, biasp_ref,
                 pos0_ref, pos1_ref, w0_ref, w1_ref, gid_ref, valid_ref):
    x = x_ref[...]
    logits = jax.lax.dot_general(
        x, gwp_ref[...], (((1,), (1,)), ((), ())),
        preferred_element_type=jnp.float32)
    s = jax.nn.sigmoid(logits)
    sel = s + biasp_ref[...]
    m1 = jnp.max(sel, axis=1, keepdims=True)
    t1 = sel >= m1
    sel2 = jnp.where(t1, -jnp.inf, sel)
    m2 = jnp.max(sel2, axis=1, keepdims=True)
    t2 = sel2 >= m2
    t1f = t1.astype(jnp.float32)
    t2f = t2.astype(jnp.float32)

    denom = jnp.sum(s * (t1f + t2f), axis=1, keepdims=True) + 1e-20
    w0_ref[...] = jnp.sum(s * t1f, axis=1, keepdims=True) * RSF / denom
    w1_ref[...] = jnp.sum(s * t2f, axis=1, keepdims=True) * RSF / denom

    cnt = t1f + t2f
    inc = cnt
    sft = 1
    while sft < T:
        inc = inc + jnp.concatenate(
            [jnp.zeros((sft, EPAD), jnp.float32), inc[:T - sft, :]], axis=0)
        sft *= 2
    exc = inc - cnt
    totals = inc[T - 1:T, :]

    tot_i = totals.astype(jnp.int32)
    lane = jax.lax.broadcasted_iota(jnp.int32, (1, EPAD), 1)
    jv = lane * TM_C
    offs = jnp.zeros((1, EPAD), jnp.float32)
    gid = jnp.zeros((1, EPAD), jnp.int32)
    run = jnp.zeros((), jnp.int32)
    for e in range(E):
        oh = lane == e
        te = jnp.sum(jnp.where(oh, tot_i, 0))
        pe = ((te + TM_C - 1) // TM_C) * TM_C
        offs = offs + jnp.where(oh, run, 0).astype(jnp.float32)
        run = run + pe
        gid = gid + (jv >= run).astype(jnp.int32)
    gid_ref[...] = jnp.minimum(gid, E - 1)
    valid_ref[...] = (jv < run).astype(jnp.int32)

    dest = exc + offs
    pos0_ref[...] = jnp.sum(dest * t1f, axis=1, keepdims=True).astype(jnp.int32)
    pos1_ref[...] = jnp.sum(dest * t2f, axis=1, keepdims=True).astype(jnp.int32)


def _router(x, gwp, biasp):
    return pl.pallas_call(
        _router_body,
        out_shape=[
            jax.ShapeDtypeStruct((T, 1), jnp.int32),
            jax.ShapeDtypeStruct((T, 1), jnp.int32),
            jax.ShapeDtypeStruct((T, 1), jnp.float32),
            jax.ShapeDtypeStruct((T, 1), jnp.float32),
            jax.ShapeDtypeStruct((1, EPAD), jnp.int32),
            jax.ShapeDtypeStruct((1, EPAD), jnp.int32),
        ],
    )(x, gwp, biasp)



def _dispatch_body(x_hbm, p0_hbm, p1_hbm, xs_hbm, idx_v, xv, sem):
    w = jax.lax.axis_index("s") * _SC_NC + jax.lax.axis_index("c")
    base = w * TPW
    pltpu.sync_copy(p0_hbm.at[pl.ds(base, TPW)], idx_v.at[0])
    pltpu.sync_copy(p1_hbm.at[pl.ds(base, TPW)], idx_v.at[1])
    pltpu.sync_copy(x_hbm.at[pl.ds(base, TPW)], xv)
    pltpu.async_copy(xv, xs_hbm.at[idx_v.at[0]], sem).wait()
    pltpu.async_copy(xv, xs_hbm.at[idx_v.at[1]], sem).wait()


@functools.lru_cache(maxsize=None)
def _make_dispatch():
    return pl.kernel(
        _dispatch_body,
        out_type=jax.ShapeDtypeStruct((P, D), jnp.float32),
        mesh=plsc.VectorSubcoreMesh(core_axis_name="c", subcore_axis_name="s"),
        scratch_types=[
            pltpu.VMEM((2, TPW), jnp.int32),
            pltpu.VMEM((TPW, D), jnp.float32),
            pltpu.SemaphoreType.DMA,
        ],
    )


def _dispatch(x, p0, p1):
    return _make_dispatch()(x, p0, p1)



def _gmm_body(gid_ref, valid_ref, xs_ref, w13_ref, w2_ref, ys_ref):
    j = pl.program_id(0)

    @pl.when(valid_ref[j] > 0)
    def _tile():
        xb = xs_ref[...].astype(jnp.bfloat16)
        gu = jax.lax.dot_general(
            xb, w13_ref[0].astype(jnp.bfloat16), (((1,), (1,)), ((), ())),
            preferred_element_type=jnp.float32)
        g = gu[:, :DFF]
        u = gu[:, DFF:]
        h = (g * jax.nn.sigmoid(g) * u).astype(jnp.bfloat16)
        ys_ref[...] = jax.lax.dot_general(
            h, w2_ref[0].astype(jnp.bfloat16), (((1,), (1,)), ((), ())),
            preferred_element_type=jnp.float32)


def _gmm(gid, valid, xs, w13b, w2b):
    grid_spec = pltpu.PrefetchScalarGridSpec(
        num_scalar_prefetch=2,
        grid=(NT,),
        in_specs=[
            pl.BlockSpec((TM_C, D), lambda j, gid, valid: (j, 0)),
            pl.BlockSpec((1, 2 * DFF, D), lambda j, gid, valid: (gid[j], 0, 0)),
            pl.BlockSpec((1, D, DFF), lambda j, gid, valid: (gid[j], 0, 0)),
        ],
        out_specs=pl.BlockSpec((TM_C, D), lambda j, gid, valid: (j, 0)),
    )
    return pl.pallas_call(
        _gmm_body,
        grid_spec=grid_spec,
        out_shape=jax.ShapeDtypeStruct((P, D), jnp.float32),
        compiler_params=pltpu.CompilerParams(
            dimension_semantics=("arbitrary",),
        ),
    )(gid, valid, xs, w13b, w2b)



def _gatherz_body(ys_hbm, p0_hbm, p1_hbm, z0_hbm, z1_hbm, idx_v, rv, sem):
    w = jax.lax.axis_index("s") * _SC_NC + jax.lax.axis_index("c")
    base = w * TPW
    pltpu.sync_copy(p0_hbm.at[pl.ds(base, TPW)], idx_v.at[0])
    pltpu.sync_copy(p1_hbm.at[pl.ds(base, TPW)], idx_v.at[1])
    pltpu.async_copy(ys_hbm.at[idx_v.at[0]], rv, sem).wait()
    pltpu.sync_copy(rv, z0_hbm.at[pl.ds(base, TPW)])
    pltpu.async_copy(ys_hbm.at[idx_v.at[1]], rv, sem).wait()
    pltpu.sync_copy(rv, z1_hbm.at[pl.ds(base, TPW)])


@functools.lru_cache(maxsize=None)
def _make_gatherz():
    return pl.kernel(
        _gatherz_body,
        out_type=(
            jax.ShapeDtypeStruct((T, D), jnp.float32),
            jax.ShapeDtypeStruct((T, D), jnp.float32),
        ),
        mesh=plsc.VectorSubcoreMesh(core_axis_name="c", subcore_axis_name="s"),
        scratch_types=[
            pltpu.VMEM((2, TPW), jnp.int32),
            pltpu.VMEM((TPW, D), jnp.float32),
            pltpu.SemaphoreType.DMA,
        ],
    )


def _gatherz(ys, p0, p1):
    return _make_gatherz()(ys, p0, p1)



def _combine_body(z0_ref, z1_ref, w0_ref, w1_ref, x_ref, sgu_ref, sdn_ref,
                  out_ref):
    xb = x_ref[...].astype(jnp.bfloat16)
    sgu = jax.lax.dot_general(
        xb, sgu_ref[...].astype(jnp.bfloat16), (((1,), (1,)), ((), ())),
        preferred_element_type=jnp.float32)
    sg = sgu[:, :DFF * NSH]
    su = sgu[:, DFF * NSH:]
    sh = (sg * jax.nn.sigmoid(sg) * su).astype(jnp.bfloat16)
    shared = jax.lax.dot_general(
        sh, sdn_ref[...].astype(jnp.bfloat16), (((1,), (1,)), ((), ())),
        preferred_element_type=jnp.float32)
    out_ref[...] = (w0_ref[...] * z0_ref[...] + w1_ref[...] * z1_ref[...]
                    + shared)


def _combine(z0, z1, w0, w1, x, sgu_w, sdn_w):
    return pl.pallas_call(
        _combine_body,
        grid=(T // TME,),
        in_specs=[
            pl.BlockSpec((TME, D), lambda i: (i, 0)),
            pl.BlockSpec((TME, D), lambda i: (i, 0)),
            pl.BlockSpec((TME, 1), lambda i: (i, 0)),
            pl.BlockSpec((TME, 1), lambda i: (i, 0)),
            pl.BlockSpec((TME, D), lambda i: (i, 0)),
            pl.BlockSpec((2 * DFF * NSH, D), lambda i: (0, 0)),
            pl.BlockSpec((D, DFF * NSH), lambda i: (0, 0)),
        ],
        out_specs=pl.BlockSpec((TME, D), lambda i: (i, 0)),
        out_shape=jax.ShapeDtypeStruct((T, D), jnp.float32),
        compiler_params=pltpu.CompilerParams(
            dimension_semantics=("arbitrary",),
        ),
    )(z0, z1, w0, w1, x, sgu_w, sdn_w)



def kernel(hidden_states, residual, gate_weight, e_score_correction_bias,
           w13, w2, shared_gate_up, shared_down):
    del residual
    x = hidden_states
    gwp = jnp.zeros((EPAD, D), jnp.float32).at[:E].set(gate_weight)
    biasp = jnp.full((1, EPAD), -1e30, jnp.float32
                     ).at[0, :E].set(e_score_correction_bias)

    pos0, pos1, w0, w1, gid, valid = _router(x, gwp, biasp)
    p0 = pos0.reshape(T)
    p1 = pos1.reshape(T)

    xs = _dispatch(x, p0, p1)
    ys = _gmm(gid.reshape(EPAD), valid.reshape(EPAD), xs, w13, w2)
    z0, z1 = _gatherz(ys, p0, p1)

    return _combine(z0, z1, w0, w1, x, shared_gate_up, shared_down)

# --- scband reference (transcript-rebuilt; emitter-appended) ---
"""Pipeline reference for scband-deepseek-mo-e-71683004170418 (READ-ONLY COPY).

The authoritative reference and input builder live on the scoring server;
editing this copy changes nothing except your own understanding.
"""

import jax, jax.numpy as jnp
import numpy as np

E = 8          # n_routed_experts
TOPK = 2       # num_experts_per_tok
D = 1024       # hidden_size
DFF = 704      # moe_intermediate_size
NSH = 2        # n_shared_experts
T = 2048       # tokens = batch(1) * seq_len(2048)
RSF = 2.5      # routed_scaling_factor


def setup_inputs(seed: int = 0) -> dict:
    key = jax.random.key(seed)
    ks = jax.random.split(key, 8)
    hidden_states = jax.random.normal(ks[0], (T, D), dtype=jnp.float32)
    residual = jax.random.normal(ks[1], (T, D), dtype=jnp.float32)
    # gate (router) weight, kept in float32 as in the torch module
    gate_weight = jax.random.normal(ks[2], (E, D), dtype=jnp.float32) * 0.02
    # noaux_tc e_score_correction_bias
    e_score_correction_bias = jax.random.normal(ks[3], (E,), dtype=jnp.float32) * 0.01
    # routed experts: merged gate_up projection [E, 2*DFF, D] and down projection [E, D, DFF]
    w13 = jax.random.normal(ks[4], (E, 2 * DFF, D), dtype=jnp.float32) * 0.02
    w2 = jax.random.normal(ks[5], (E, D, DFF), dtype=jnp.float32) * 0.02
    # shared experts MLP: intermediate = moe_intermediate_size * n_shared_experts
    shared_gate_up = jax.random.normal(ks[6], (2 * DFF * NSH, D), dtype=jnp.float32) * 0.02
    shared_down = jax.random.normal(ks[7], (D, DFF * NSH), dtype=jnp.float32) * 0.02
    return {
        "hidden_states": hidden_states,
        "residual": residual,
        "gate_weight": gate_weight,
        "e_score_correction_bias": e_score_correction_bias,
        "w13": w13,
        "w2": w2,
        "shared_gate_up": shared_gate_up,
        "shared_down": shared_down,
    }


def reference(hidden_states, residual, gate_weight, e_score_correction_bias,
              w13, w2, shared_gate_up, shared_down):
    x = hidden_states
    # ---- router (ReplicatedLinear gate, float32) ----
    logits = x.astype(jnp.float32) @ gate_weight.T                    # [T, E]
    scores = jax.nn.sigmoid(logits)                                   # noaux_tc scoring
    scores_for_choice = scores + e_score_correction_bias[None, :]
    _, topk_idx = jax.lax.top_k(scores_for_choice, TOPK)              # [T, K]
    topk_w = jnp.take_along_axis(scores, topk_idx, axis=1)            # weights from raw scores
    topk_w = topk_w / (jnp.sum(topk_w, axis=1, keepdims=True) + 1e-20)
    topk_w = topk_w * RSF
    # dense combine weights [T, E] (equivalent to deepep dispatch+combine)
    onehot = jax.nn.one_hot(topk_idx, E, dtype=x.dtype)               # [T, K, E]
    combine = jnp.sum(topk_w[..., None].astype(x.dtype) * onehot, axis=1)  # [T, E]

    # ---- routed experts (FusedMoE): SiluAndMul MLPs ----
    out = jnp.zeros_like(x)
    for e in range(E):
        gu = x @ w13[e].T                                             # [T, 2*DFF]
        g, u = gu[:, :DFF], gu[:, DFF:]
        h = jax.nn.silu(g) * u
        y = h @ w2[e].T                                               # [T, D]
        out = out + combine[:, e:e + 1] * y

    # ---- shared experts (ReplicatedDeepseekMLP) ----
    sgu = x @ shared_gate_up.T                                        # [T, 2*DFF*NSH]
    sg, su = sgu[:, :DFF * NSH], sgu[:, DFF * NSH:]
    sh = jax.nn.silu(sg) * su
    shared_out = sh @ shared_down.T                                   # [T, D]

    final = out + shared_out
    return final

if __name__ == "__main__":
    import jax
    _d = setup_inputs()
    print(jax.jit(kernel)(*tuple(_d.values())))

</pallas_src>

<mosaic_0001>
#map = affine_map<(d0, d1) -> (0, 0)>
#map1 = affine_map<(d0, d1) -> (0)>
module attributes {stable_mosaic.version = 14 : i64} {
  func.func @_gatherz_body(%arg0: i32, %arg1: i32, %arg2: memref<6144x1024xf32, #tpu.memory_space<hbm>>, %arg3: memref<2048xi32, #tpu.memory_space<hbm>>, %arg4: memref<2048xi32, #tpu.memory_space<hbm>>, %arg5: memref<2048x1024xf32, #tpu.memory_space<hbm>>, %arg6: memref<2048x1024xf32, #tpu.memory_space<hbm>>, %arg7: memref<2x64xi32, #tpu.memory_space<vmem>>, %arg8: memref<64x1024xf32, #tpu.memory_space<vmem>>, %arg9: memref<!tpu.dma_semaphore, #tpu.memory_space<semaphore_mem>>) attributes {dimension_semantics = [#tpu.dimension_semantics<core_parallel>, #tpu.dimension_semantics<subcore_parallel>], iteration_bounds = array<i64: 2, 16>, scalar_prefetch = 0 : i64, scratch_operands = 3 : i64, tpu.core_type = #tpu.core_type<sc_vector_subcore>, window_params = [{transform_indices = #map}, {transform_indices = #map1}, {transform_indices = #map1}, {transform_indices = #map}, {transform_indices = #map}]} {
    %mul3A = arith.constant 2 : i32
    %mul3A_0 = arith.muli %arg1, %mul3A : i32
    %add3A = arith.addi %mul3A_0, %arg0 : i32
    %mul3A_1 = arith.constant 64 : i32
    %mul3A_2 = arith.muli %add3A, %mul3A_1 : i32
    %run_scoped3A = arith.constant 0 : i32
    "tpu.region"() ({
      %run_scoped3A_30 = tpu.sem_alloc : memref<!tpu.dma_semaphore, #tpu.memory_space<semaphore_mem>>
      %dma_start3A_31 = arith.constant 0 : i32
      %dma_start3A_32 = tpu.memref_slice %arg7[%run_scoped3A, %dma_start3A_31] : memref<2x64xi32, #tpu.memory_space<vmem>> -> memref<1x64xi32, #tpu.memory_space<vmem>>
      %dma_start3A_33 = tpu.memref_squeeze %dma_start3A_32 : memref<1x64xi32, #tpu.memory_space<vmem>> -> memref<64xi32, #tpu.memory_space<vmem>>
      %dma_start3A_34 = tpu.memref_slice %arg3[%mul3A_2] : memref<2048xi32, #tpu.memory_space<hbm>> -> memref<64xi32, #tpu.memory_space<hbm>>
      %dma_start3A_35 = arith.constant 0 : i32
      %dma_start3A_36 = tpu.memref_slice %arg7[%run_scoped3A, %dma_start3A_35] : memref<2x64xi32, #tpu.memory_space<vmem>> -> memref<1x64xi32, #tpu.memory_space<vmem>>
      %dma_start3A_37 = tpu.memref_squeeze %dma_start3A_36 : memref<1x64xi32, #tpu.memory_space<vmem>> -> memref<64xi32, #tpu.memory_space<vmem>>
      %dma_start3A_38 = tpu.memref_slice %arg3[%mul3A_2] : memref<2048xi32, #tpu.memory_space<hbm>> -> memref<64xi32, #tpu.memory_space<hbm>>
      tpu.enqueue_dma source(%dma_start3A_38 : memref<64xi32, #tpu.memory_space<hbm>>) target(%dma_start3A_37 : memref<64xi32, #tpu.memory_space<vmem>>) target_semaphore(%run_scoped3A_30 : memref<!tpu.dma_semaphore, #tpu.memory_space<semaphore_mem>>)
      %dma_wait3A_39 = arith.constant 0 : i32
      %dma_wait3A_40 = tpu.memref_slice %arg7[%run_scoped3A, %dma_wait3A_39] : memref<2x64xi32, #tpu.memory_space<vmem>> -> memref<1x64xi32, #tpu.memory_space<vmem>>
      %dma_wait3A_41 = tpu.memref_squeeze %dma_wait3A_40 : memref<1x64xi32, #tpu.memory_space<vmem>> -> memref<64xi32, #tpu.memory_space<vmem>>
      %dma_wait3A_42 = tpu.memref_slice %arg3[%mul3A_2] : memref<2048xi32, #tpu.memory_space<hbm>> -> memref<64xi32, #tpu.memory_space<hbm>>
      %dma_wait3A_43 = arith.constant 0 : i32
      %dma_wait3A_44 = tpu.memref_slice %arg7[%run_scoped3A, %dma_wait3A_43] : memref<2x64xi32, #tpu.memory_space<vmem>> -> memref<1x64xi32, #tpu.memory_space<vmem>>
      %dma_wait3A_45 = tpu.memref_squeeze %dma_wait3A_44 : memref<1x64xi32, #tpu.memory_space<vmem>> -> memref<64xi32, #tpu.memory_space<vmem>>
      %dma_wait3A_46 = tpu.memref_slice %arg3[%mul3A_2] : memref<2048xi32, #tpu.memory_space<hbm>> -> memref<64xi32, #tpu.memory_space<hbm>>
      tpu.wait_dma2 semaphore(%run_scoped3A_30 : memref<!tpu.dma_semaphore, #tpu.memory_space<semaphore_mem>>) src(%dma_wait3A_46 : memref<64xi32, #tpu.memory_space<hbm>>) dst(%dma_wait3A_45 : memref<64xi32, #tpu.memory_space<vmem>>)
      tpu.yield
    }) : () -> ()
    %run_scoped3A_3 = arith.constant 1 : i32
    "tpu.region"() ({
      %run_scoped3A_30 = tpu.sem_alloc : memref<!tpu.dma_semaphore, #tpu.memory_space<semaphore_mem>>
      %dma_start3A_31 = arith.constant 0 : i32
      %dma_start3A_32 = tpu.memref_slice %arg7[%run_scoped3A_3, %dma_start3A_31] : memref<2x64xi32, #tpu.memory_space<vmem>> -> memref<1x64xi32, #tpu.memory_space<vmem>>
      %dma_start3A_33 = tpu.memref_squeeze %dma_start3A_32 : memref<1x64xi32, #tpu.memory_space<vmem>> -> memref<64xi32, #tpu.memory_space<vmem>>
      %dma_start3A_34 = tpu.memref_slice %arg4[%mul3A_2] : memref<2048xi32, #tpu.memory_space<hbm>> -> memref<64xi32, #tpu.memory_space<hbm>>
      %dma_start3A_35 = arith.constant 0 : i32
      %dma_start3A_36 = tpu.memref_slice %arg7[%run_scoped3A_3, %dma_start3A_35] : memref<2x64xi32, #tpu.memory_space<vmem>> -> memref<1x64xi32, #tpu.memory_space<vmem>>
      %dma_start3A_37 = tpu.memref_squeeze %dma_start3A_36 : memref<1x64xi32, #tpu.memory_space<vmem>> -> memref<64xi32, #tpu.memory_space<vmem>>
      %dma_start3A_38 = tpu.memref_slice %arg4[%mul3A_2] : memref<2048xi32, #tpu.memory_space<hbm>> -> memref<64xi32, #tpu.memory_space<hbm>>
      tpu.enqueue_dma source(%dma_start3A_38 : memref<64xi32, #tpu.memory_space<hbm>>) target(%dma_start3A_37 : memref<64xi32, #tpu.memory_space<vmem>>) target_semaphore(%run_scoped3A_30 : memref<!tpu.dma_semaphore, #tpu.memory_space<semaphore_mem>>)
      %dma_wait3A_39 = arith.constant 0 : i32
      %dma_wait3A_40 = tpu.memref_slice %arg7[%run_scoped3A_3, %dma_wait3A_39] : memref<2x64xi32, #tpu.memory_space<vmem>> -> memref<1x64xi32, #tpu.memory_space<vmem>>
      %dma_wait3A_41 = tpu.memref_squeeze %dma_wait3A_40 : memref<1x64xi32, #tpu.memory_space<vmem>> -> memref<64xi32, #tpu.memory_space<vmem>>
      %dma_wait3A_42 = tpu.memref_slice %arg4[%mul3A_2] : memref<2048xi32, #tpu.memory_space<hbm>> -> memref<64xi32, #tpu.memory_space<hbm>>
      %dma_wait3A_43 = arith.constant 0 : i32
      %dma_wait3A_44 = tpu.memref_slice %arg7[%run_scoped3A_3, %dma_wait3A_43] : memref<2x64xi32, #tpu.memory_space<vmem>> -> memref<1x64xi32, #tpu.memory_space<vmem>>
      %dma_wait3A_45 = tpu.memref_squeeze %dma_wait3A_44 : memref<1x64xi32, #tpu.memory_space<vmem>> -> memref<64xi32, #tpu.memory_space<vmem>>
      %dma_wait3A_46 = tpu.memref_slice %arg4[%mul3A_2] : memref<2048xi32, #tpu.memory_space<hbm>> -> memref<64xi32, #tpu.memory_space<hbm>>
      tpu.wait_dma2 semaphore(%run_scoped3A_30 : memref<!tpu.dma_semaphore, #tpu.memory_space<semaphore_mem>>) src(%dma_wait3A_46 : memref<64xi32, #tpu.memory_space<hbm>>) dst(%dma_wait3A_45 : memref<64xi32, #tpu.memory_space<vmem>>)
      tpu.yield
    }) : () -> ()
    %dma_start3A = arith.constant 0 : i32
    %dma_start3A_4 = arith.constant 0 : i32
    %dma_start3A_5 = tpu.memref_slice %arg7[%dma_start3A, %dma_start3A_4] : memref<2x64xi32, #tpu.memory_space<vmem>> -> memref<1x64xi32, #tpu.memory_space<vmem>>
    %dma_start3A_6 = tpu.memref_squeeze %dma_start3A_5 : memref<1x64xi32, #tpu.memory_space<vmem>> -> memref<64xi32, #tpu.memory_space<vmem>>
    %dma_start3A_7 = arith.constant 0 : i32
    %dma_start3A_8 = arith.constant 0 : i32
    %dma_start3A_9 = tpu.memref_slice %arg2[%dma_start3A_7, %dma_start3A_8] : memref<6144x1024xf32, #tpu.memory_space<hbm>> -> memref<6144x1024xf32, #tpu.memory_space<hbm>>
    tpu.enqueue_indirect_dma source(%dma_start3A_9 : memref<6144x1024xf32, #tpu.memory_space<hbm>>) target(%arg8 : memref<64x1024xf32, #tpu.memory_space<vmem>>) offsets(%dma_start3A_6 : memref<64xi32, #tpu.memory_space<vmem>>) semaphore(%arg9 : memref<!tpu.dma_semaphore, #tpu.memory_space<semaphore_mem>>)
    %dma_wait3A = arith.constant 0 : i32
    %dma_wait3A_10 = arith.constant 0 : i32
    %dma_wait3A_11 = tpu.memref_slice %arg7[%dma_wait3A, %dma_wait3A_10] : memref<2x64xi32, #tpu.memory_space<vmem>> -> memref<1x64xi32, #tpu.memory_space<vmem>>
    %dma_wait3A_12 = tpu.memref_squeeze %dma_wait3A_11 : memref<1x64xi32, #tpu.memory_space<vmem>> -> memref<64xi32, #tpu.memory_space<vmem>>
    %dma_wait3A_13 = arith.constant 0 : i32
    %dma_wait3A_14 = arith.constant 0 : i32
    %dma_wait3A_15 = tpu.memref_slice %arg2[%dma_wait3A_13, %dma_wait3A_14] : memref<6144x1024xf32, #tpu.memory_space<hbm>> -> memref<6144x1024xf32, #tpu.memory_space<hbm>>
    tpu.wait_indirect_dma semaphore(%arg9 : memref<!tpu.dma_semaphore, #tpu.memory_space<semaphore_mem>>) src(%dma_wait3A_15 : memref<6144x1024xf32, #tpu.memory_space<hbm>>) dst(%arg8 : memref<64x1024xf32, #tpu.memory_space<vmem>>)
    "tpu.region"() ({
      %run_scoped3A_30 = tpu.sem_alloc : memref<!tpu.dma_semaphore, #tpu.memory_space<semaphore_mem>>
      %dma_start3A_31 = arith.constant 0 : i32
      %dma_start3A_32 = tpu.memref_slice %arg5[%mul3A_2, %dma_start3A_31] : memref<2048x1024xf32, #tpu.memory_space<hbm>> -> memref<64x1024xf32, #tpu.memory_space<hbm>>
      %dma_start3A_33 = arith.constant 0 : i32
      %dma_start3A_34 = tpu.memref_slice %arg5[%mul3A_2, %dma_start3A_33] : memref<2048x1024xf32, #tpu.memory_space<hbm>> -> memref<64x1024xf32, #tpu.memory_space<hbm>>
      tpu.enqueue_dma source(%arg8 : memref<64x1024xf32, #tpu.memory_space<vmem>>) target(%dma_start3A_34 : memref<64x1024xf32, #tpu.memory_space<hbm>>) target_semaphore(%run_scoped3A_30 : memref<!tpu.dma_semaphore, #tpu.memory_space<semaphore_mem>>)
      %dma_wait3A_35 = arith.constant 0 : i32
      %dma_wait3A_36 = tpu.memref_slice %arg5[%mul3A_2, %dma_wait3A_35] : memref<2048x1024xf32, #tpu.memory_space<hbm>> -> memref<64x1024xf32, #tpu.memory_space<hbm>>
      %dma_wait3A_37 = arith.constant 0 : i32
      %dma_wait3A_38 = tpu.memref_slice %arg5[%mul3A_2, %dma_wait3A_37] : memref<2048x1024xf32, #tpu.memory_space<hbm>> -> memref<64x1024xf32, #tpu.memory_space<hbm>>
      tpu.wait_dma2 semaphore(%run_scoped3A_30 : memref<!tpu.dma_semaphore, #tpu.memory_space<semaphore_mem>>) src(%arg8 : memref<64x1024xf32, #tpu.memory_space<vmem>>) dst(%dma_wait3A_38 : memref<64x1024xf32, #tpu.memory_space<hbm>>)
      tpu.yield
    }) : () -> ()
    %dma_start3A_16 = arith.constant 1 : i32
    %dma_start3A_17 = arith.constant 0 : i32
    %dma_start3A_18 = tpu.memref_slice %arg7[%dma_start3A_16, %dma_start3A_17] : memref<2x64xi32, #tpu.memory_space<vmem>> -> memref<1x64xi32, #tpu.memory_space<vmem>>
    %dma_start3A_19 = tpu.memref_squeeze %dma_start3A_18 : memref<1x64xi32, #tpu.memory_space<vmem>> -> memref<64xi32, #tpu.memory_space<vmem>>
    %dma_start3A_20 = arith.constant 0 : i32
    %dma_start3A_21 = arith.constant 0 : i32
    %dma_start3A_22 = tpu.memref_slice %arg2[%dma_start3A_20, %dma_start3A_21] : memref<6144x1024xf32, #tpu.memory_space<hbm>> -> memref<6144x1024xf32, #tpu.memory_space<hbm>>
    tpu.enqueue_indirect_dma source(%dma_start3A_22 : memref<6144x1024xf32, #tpu.memory_space<hbm>>) target(%arg8 : memref<64x1024xf32, #tpu.memory_space<vmem>>) offsets(%dma_start3A_19 : memref<64xi32, #tpu.memory_space<vmem>>) semaphore(%arg9 : memref<!tpu.dma_semaphore, #tpu.memory_space<semaphore_mem>>)
    %dma_wait3A_23 = arith.constant 1 : i32
    %dma_wait3A_24 = arith.constant 0 : i32
    %dma_wait3A_25 = tpu.memref_slice %arg7[%dma_wait3A_23, %dma_wait3A_24] : memref<2x64xi32, #tpu.memory_space<vmem>> -> memref<1x64xi32, #tpu.memory_space<vmem>>
    %dma_wait3A_26 = tpu.memref_squeeze %dma_wait3A_25 : memref<1x64xi32, #tpu.memory_space<vmem>> -> memref<64xi32, #tpu.memory_space<vmem>>
    %dma_wait3A_27 = arith.constant 0 : i32
    %dma_wait3A_28 = arith.constant 0 : i32
    %dma_wait3A_29 = tpu.memref_slice %arg2[%dma_wait3A_27, %dma_wait3A_28] : memref<6144x1024xf32, #tpu.memory_space<hbm>> -> memref<6144x1024xf32, #tpu.memory_space<hbm>>
    tpu.wait_indirect_dma semaphore(%arg9 : memref<!tpu.dma_semaphore, #tpu.memory_space<semaphore_mem>>) src(%dma_wait3A_29 : memref<6144x1024xf32, #tpu.memory_space<hbm>>) dst(%arg8 : memref<64x1024xf32, #tpu.memory_space<vmem>>)
    "tpu.region"() ({
      %run_scoped3A_30 = tpu.sem_alloc : memref<!tpu.dma_semaphore, #tpu.memory_space<semaphore_mem>>
      %dma_start3A_31 = arith.constant 0 : i32
      %dma_start3A_32 = tpu.memref_slice %arg6[%mul3A_2, %dma_start3A_31] : memref<2048x1024xf32, #tpu.memory_space<hbm>> -> memref<64x1024xf32, #tpu.memory_space<hbm>>
      %dma_start3A_33 = arith.constant 0 : i32
      %dma_start3A_34 = tpu.memref_slice %arg6[%mul3A_2, %dma_start3A_33] : memref<2048x1024xf32, #tpu.memory_space<hbm>> -> memref<64x1024xf32, #tpu.memory_space<hbm>>
      tpu.enqueue_dma source(%arg8 : memref<64x1024xf32, #tpu.memory_space<vmem>>) target(%dma_start3A_34 : memref<64x1024xf32, #tpu.memory_space<hbm>>) target_semaphore(%run_scoped3A_30 : memref<!tpu.dma_semaphore, #tpu.memory_space<semaphore_mem>>)
      %dma_wait3A_35 = arith.constant 0 : i32
      %dma_wait3A_36 = tpu.memref_slice %arg6[%mul3A_2, %dma_wait3A_35] : memref<2048x1024xf32, #tpu.memory_space<hbm>> -> memref<64x1024xf32, #tpu.memory_space<hbm>>
      %dma_wait3A_37 = arith.constant 0 : i32
      %dma_wait3A_38 = tpu.memref_slice %arg6[%mul3A_2, %dma_wait3A_37] : memref<2048x1024xf32, #tpu.memory_space<hbm>> -> memref<64x1024xf32, #tpu.memory_space<hbm>>
      tpu.wait_dma2 semaphore(%run_scoped3A_30 : memref<!tpu.dma_semaphore, #tpu.memory_space<semaphore_mem>>) src(%arg8 : memref<64x1024xf32, #tpu.memory_space<vmem>>) dst(%dma_wait3A_38 : memref<64x1024xf32, #tpu.memory_space<hbm>>)
      tpu.yield
    }) : () -> ()
    return
  }
}

#map = affine_map<(d0, d1) -> (0, 0)>
#map1 = affine_map<(d0, d1) -> (0)>
module attributes {stable_mosaic.version = 14 : i64} {
  func.func @_dispatch_body(%arg0: i32, %arg1: i32, %arg2: memref<2048x1024xf32, #tpu.memory_space<hbm>>, %arg3: memref<2048xi32, #tpu.memory_space<hbm>>, %arg4: memref<2048xi32, #tpu.memory_space<hbm>>, %arg5: memref<6144x1024xf32, #tpu.memory_space<hbm>>, %arg6: memref<2x64xi32, #tpu.memory_space<vmem>>, %arg7: memref<64x1024xf32, #tpu.memory_space<vmem>>, %arg8: memref<!tpu.dma_semaphore, #tpu.memory_space<semaphore_mem>>) attributes {dimension_semantics = [#tpu.dimension_semantics<core_parallel>, #tpu.dimension_semantics<subcore_parallel>], iteration_bounds = array<i64: 2, 16>, scalar_prefetch = 0 : i64, scratch_operands = 3 : i64, tpu.core_type = #tpu.core_type<sc_vector_subcore>, window_params = [{transform_indices = #map}, {transform_indices = #map1}, {transform_indices = #map1}, {transform_indices = #map}]} {
    %mul3A = arith.constant 2 : i32
    %mul3A_0 = arith.muli %arg1, %mul3A : i32
    %add3A = arith.addi %mul3A_0, %arg0 : i32
    %mul3A_1 = arith.constant 64 : i32
    %mul3A_2 = arith.muli %add3A, %mul3A_1 : i32
    %run_scoped3A = arith.constant 0 : i32
    "tpu.region"() ({
      %run_scoped3A_30 = tpu.sem_alloc : memref<!tpu.dma_semaphore, #tpu.memory_space<semaphore_mem>>
      %dma_start3A_31 = arith.constant 0 : i32
      %dma_start3A_32 = tpu.memref_slice %arg6[%run_scoped3A, %dma_start3A_31] : memref<2x64xi32, #tpu.memory_space<vmem>> -> memref<1x64xi32, #tpu.memory_space<vmem>>
      %dma_start3A_33 = tpu.memref_squeeze %dma_start3A_32 : memref<1x64xi32, #tpu.memory_space<vmem>> -> memref<64xi32, #tpu.memory_space<vmem>>
      %dma_start3A_34 = tpu.memref_slice %arg3[%mul3A_2] : memref<2048xi32, #tpu.memory_space<hbm>> -> memref<64xi32, #tpu.memory_space<hbm>>
      %dma_start3A_35 = arith.constant 0 : i32
      %dma_start3A_36 = tpu.memref_slice %arg6[%run_scoped3A, %dma_start3A_35] : memref<2x64xi32, #tpu.memory_space<vmem>> -> memref<1x64xi32, #tpu.memory_space<vmem>>
      %dma_start3A_37 = tpu.memref_squeeze %dma_start3A_36 : memref<1x64xi32, #tpu.memory_space<vmem>> -> memref<64xi32, #tpu.memory_space<vmem>>
      %dma_start3A_38 = tpu.memref_slice %arg3[%mul3A_2] : memref<2048xi32, #tpu.memory_space<hbm>> -> memref<64xi32, #tpu.memory_space<hbm>>
      tpu.enqueue_dma source(%dma_start3A_38 : memref<64xi32, #tpu.memory_space<hbm>>) target(%dma_start3A_37 : memref<64xi32, #tpu.memory_space<vmem>>) target_semaphore(%run_scoped3A_30 : memref<!tpu.dma_semaphore, #tpu.memory_space<semaphore_mem>>)
      %dma_wait3A_39 = arith.constant 0 : i32
      %dma_wait3A_40 = tpu.memref_slice %arg6[%run_scoped3A, %dma_wait3A_39] : memref<2x64xi32, #tpu.memory_space<vmem>> -> memref<1x64xi32, #tpu.memory_space<vmem>>
      %dma_wait3A_41 = tpu.memref_squeeze %dma_wait3A_40 : memref<1x64xi32, #tpu.memory_space<vmem>> -> memref<64xi32, #tpu.memory_space<vmem>>
      %dma_wait3A_42 = tpu.memref_slice %arg3[%mul3A_2] : memref<2048xi32, #tpu.memory_space<hbm>> -> memref<64xi32, #tpu.memory_space<hbm>>
      %dma_wait3A_43 = arith.constant 0 : i32
      %dma_wait3A_44 = tpu.memref_slice %arg6[%run_scoped3A, %dma_wait3A_43] : memref<2x64xi32, #tpu.memory_space<vmem>> -> memref<1x64xi32, #tpu.memory_space<vmem>>
      %dma_wait3A_45 = tpu.memref_squeeze %dma_wait3A_44 : memref<1x64xi32, #tpu.memory_space<vmem>> -> memref<64xi32, #tpu.memory_space<vmem>>
      %dma_wait3A_46 = tpu.memref_slice %arg3[%mul3A_2] : memref<2048xi32, #tpu.memory_space<hbm>> -> memref<64xi32, #tpu.memory_space<hbm>>
      tpu.wait_dma2 semaphore(%run_scoped3A_30 : memref<!tpu.dma_semaphore, #tpu.memory_space<semaphore_mem>>) src(%dma_wait3A_46 : memref<64xi32, #tpu.memory_space<hbm>>) dst(%dma_wait3A_45 : memref<64xi32, #tpu.memory_space<vmem>>)
      tpu.yield
    }) : () -> ()
    %run_scoped3A_3 = arith.constant 1 : i32
    "tpu.region"() ({
      %run_scoped3A_30 = tpu.sem_alloc : memref<!tpu.dma_semaphore, #tpu.memory_space<semaphore_mem>>
      %dma_start3A_31 = arith.constant 0 : i32
      %dma_start3A_32 = tpu.memref_slice %arg6[%run_scoped3A_3, %dma_start3A_31] : memref<2x64xi32, #tpu.memory_space<vmem>> -> memref<1x64xi32, #tpu.memory_space<vmem>>
      %dma_start3A_33 = tpu.memref_squeeze %dma_start3A_32 : memref<1x64xi32, #tpu.memory_space<vmem>> -> memref<64xi32, #tpu.memory_space<vmem>>
      %dma_start3A_34 = tpu.memref_slice %arg4[%mul3A_2] : memref<2048xi32, #tpu.memory_space<hbm>> -> memref<64xi32, #tpu.memory_space<hbm>>
      %dma_start3A_35 = arith.constant 0 : i32
      %dma_start3A_36 = tpu.memref_slice %arg6[%run_scoped3A_3, %dma_start3A_35] : memref<2x64xi32, #tpu.memory_space<vmem>> -> memref<1x64xi32, #tpu.memory_space<vmem>>
      %dma_start3A_37 = tpu.memref_squeeze %dma_start3A_36 : memref<1x64xi32, #tpu.memory_space<vmem>> -> memref<64xi32, #tpu.memory_space<vmem>>
      %dma_start3A_38 = tpu.memref_slice %arg4[%mul3A_2] : memref<2048xi32, #tpu.memory_space<hbm>> -> memref<64xi32, #tpu.memory_space<hbm>>
      tpu.enqueue_dma source(%dma_start3A_38 : memref<64xi32, #tpu.memory_space<hbm>>) target(%dma_start3A_37 : memref<64xi32, #tpu.memory_space<vmem>>) target_semaphore(%run_scoped3A_30 : memref<!tpu.dma_semaphore, #tpu.memory_space<semaphore_mem>>)
      %dma_wait3A_39 = arith.constant 0 : i32
      %dma_wait3A_40 = tpu.memref_slice %arg6[%run_scoped3A_3, %dma_wait3A_39] : memref<2x64xi32, #tpu.memory_space<vmem>> -> memref<1x64xi32, #tpu.memory_space<vmem>>
      %dma_wait3A_41 = tpu.memref_squeeze %dma_wait3A_40 : memref<1x64xi32, #tpu.memory_space<vmem>> -> memref<64xi32, #tpu.memory_space<vmem>>
      %dma_wait3A_42 = tpu.memref_slice %arg4[%mul3A_2] : memref<2048xi32, #tpu.memory_space<hbm>> -> memref<64xi32, #tpu.memory_space<hbm>>
      %dma_wait3A_43 = arith.constant 0 : i32
      %dma_wait3A_44 = tpu.memref_slice %arg6[%run_scoped3A_3, %dma_wait3A_43] : memref<2x64xi32, #tpu.memory_space<vmem>> -> memref<1x64xi32, #tpu.memory_space<vmem>>
      %dma_wait3A_45 = tpu.memref_squeeze %dma_wait3A_44 : memref<1x64xi32, #tpu.memory_space<vmem>> -> memref<64xi32, #tpu.memory_space<vmem>>
      %dma_wait3A_46 = tpu.memref_slice %arg4[%mul3A_2] : memref<2048xi32, #tpu.memory_space<hbm>> -> memref<64xi32, #tpu.memory_space<hbm>>
      tpu.wait_dma2 semaphore(%run_scoped3A_30 : memref<!tpu.dma_semaphore, #tpu.memory_space<semaphore_mem>>) src(%dma_wait3A_46 : memref<64xi32, #tpu.memory_space<hbm>>) dst(%dma_wait3A_45 : memref<64xi32, #tpu.memory_space<vmem>>)
      tpu.yield
    }) : () -> ()
    "tpu.region"() ({
      %run_scoped3A_30 = tpu.sem_alloc : memref<!tpu.dma_semaphore, #tpu.memory_space<semaphore_mem>>
      %dma_start3A_31 = arith.constant 0 : i32
      %dma_start3A_32 = tpu.memref_slice %arg2[%mul3A_2, %dma_start3A_31] : memref<2048x1024xf32, #tpu.memory_space<hbm>> -> memref<64x1024xf32, #tpu.memory_space<hbm>>
      %dma_start3A_33 = arith.constant 0 : i32
      %dma_start3A_34 = tpu.memref_slice %arg2[%mul3A_2, %dma_start3A_33] : memref<2048x1024xf32, #tpu.memory_space<hbm>> -> memref<64x1024xf32, #tpu.memory_space<hbm>>
      tpu.enqueue_dma source(%dma_start3A_34 : memref<64x1024xf32, #tpu.memory_space<hbm>>) target(%arg7 : memref<64x1024xf32, #tpu.memory_space<vmem>>) target_semaphore(%run_scoped3A_30 : memref<!tpu.dma_semaphore, #tpu.memory_space<semaphore_mem>>)
      %dma_wait3A_35 = arith.constant 0 : i32
      %dma_wait3A_36 = tpu.memref_slice %arg2[%mul3A_2, %dma_wait3A_35] : memref<2048x1024xf32, #tpu.memory_space<hbm>> -> memref<64x1024xf32, #tpu.memory_space<hbm>>
      %dma_wait3A_37 = arith.constant 0 : i32
      %dma_wait3A_38 = tpu.memref_slice %arg2[%mul3A_2, %dma_wait3A_37] : memref<2048x1024xf32, #tpu.memory_space<hbm>> -> memref<64x1024xf32, #tpu.memory_space<hbm>>
      tpu.wait_dma2 semaphore(%run_scoped3A_30 : memref<!tpu.dma_semaphore, #tpu.memory_space<semaphore_mem>>) src(%dma_wait3A_38 : memref<64x1024xf32, #tpu.memory_space<hbm>>) dst(%arg7 : memref<64x1024xf32, #tpu.memory_space<vmem>>)
      tpu.yield
    }) : () -> ()
    %dma_start3A = arith.constant 0 : i32
    %dma_start3A_4 = arith.constant 0 : i32
    %dma_start3A_5 = tpu.memref_slice %arg6[%dma_start3A, %dma_start3A_4] : memref<2x64xi32, #tpu.memory_space<vmem>> -> memref<1x64xi32, #tpu.memory_space<vmem>>
    %dma_start3A_6 = tpu.memref_squeeze %dma_start3A_5 : memref<1x64xi32, #tpu.memory_space<vmem>> -> memref<64xi32, #tpu.memory_space<vmem>>
    %dma_start3A_7 = arith.constant 0 : i32
    %dma_start3A_8 = arith.constant 0 : i32
    %dma_start3A_9 = tpu.memref_slice %arg5[%dma_start3A_7, %dma_start3A_8] : memref<6144x1024xf32, #tpu.memory_space<hbm>> -> memref<6144x1024xf32, #tpu.memory_space<hbm>>
    tpu.enqueue_indirect_dma source(%arg7 : memref<64x1024xf32, #tpu.memory_space<vmem>>) target(%dma_start3A_9 : memref<6144x1024xf32, #tpu.memory_space<hbm>>) offsets(%dma_start3A_6 : memref<64xi32, #tpu.memory_space<vmem>>) semaphore(%arg8 : memref<!tpu.dma_semaphore, #tpu.memory_space<semaphore_mem>>)
    %dma_wait3A = arith.constant 0 : i32
    %dma_wait3A_10 = arith.constant 0 : i32
    %dma_wait3A_11 = tpu.memref_slice %arg6[%dma_wait3A, %dma_wait3A_10] : memref<2x64xi32, #tpu.memory_space<vmem>> -> memref<1x64xi32, #tpu.memory_space<vmem>>
    %dma_wait3A_12 = tpu.memref_squeeze %dma_wait3A_11 : memref<1x64xi32, #tpu.memory_space<vmem>> -> memref<64xi32, #tpu.memory_space<vmem>>
    %dma_wait3A_13 = arith.constant 0 : i32
    %dma_wait3A_14 = arith.constant 0 : i32
    %dma_wait3A_15 = tpu.memref_slice %arg5[%dma_wait3A_13, %dma_wait3A_14] : memref<6144x1024xf32, #tpu.memory_space<hbm>> -> memref<6144x1024xf32, #tpu.memory_space<hbm>>
    tpu.wait_indirect_dma semaphore(%arg8 : memref<!tpu.dma_semaphore, #tpu.memory_space<semaphore_mem>>) src(%arg7 : memref<64x1024xf32, #tpu.memory_space<vmem>>) dst(%dma_wait3A_15 : memref<6144x1024xf32, #tpu.memory_space<hbm>>)
    %dma_start3A_16 = arith.constant 1 : i32
    %dma_start3A_17 = arith.constant 0 : i32
    %dma_start3A_18 = tpu.memref_slice %arg6[%dma_start3A_16, %dma_start3A_17] : memref<2x64xi32, #tpu.memory_space<vmem>> -> memref<1x64xi32, #tpu.memory_space<vmem>>
    %dma_start3A_19 = tpu.memref_squeeze %dma_start3A_18 : memref<1x64xi32, #tpu.memory_space<vmem>> -> memref<64xi32, #tpu.memory_space<vmem>>
    %dma_start3A_20 = arith.constant 0 : i32
    %dma_start3A_21 = arith.constant 0 : i32
    %dma_start3A_22 = tpu.memref_slice %arg5[%dma_start3A_20, %dma_start3A_21] : memref<6144x1024xf32, #tpu.memory_space<hbm>> -> memref<6144x1024xf32, #tpu.memory_space<hbm>>
    tpu.enqueue_indirect_dma source(%arg7 : memref<64x1024xf32, #tpu.memory_space<vmem>>) target(%dma_start3A_22 : memref<6144x1024xf32, #tpu.memory_space<hbm>>) offsets(%dma_start3A_19 : memref<64xi32, #tpu.memory_space<vmem>>) semaphore(%arg8 : memref<!tpu.dma_semaphore, #tpu.memory_space<semaphore_mem>>)
    %dma_wait3A_23 = arith.constant 1 : i32
    %dma_wait3A_24 = arith.constant 0 : i32
    %dma_wait3A_25 = tpu.memref_slice %arg6[%dma_wait3A_23, %dma_wait3A_24] : memref<2x64xi32, #tpu.memory_space<vmem>> -> memref<1x64xi32, #tpu.memory_space<vmem>>
    %dma_wait3A_26 = tpu.memref_squeeze %dma_wait3A_25 : memref<1x64xi32, #tpu.memory_space<vmem>> -> memref<64xi32, #tpu.memory_space<vmem>>
    %dma_wait3A_27 = arith.constant 0 : i32
    %dma_wait3A_28 = arith.constant 0 : i32
    %dma_wait3A_29 = tpu.memref_slice %arg5[%dma_wait3A_27, %dma_wait3A_28] : memref<6144x1024xf32, #tpu.memory_space<hbm>> -> memref<6144x1024xf32, #tpu.memory_space<hbm>>
    tpu.wait_indirect_dma semaphore(%arg8 : memref<!tpu.dma_semaphore, #tpu.memory_space<semaphore_mem>>) src(%arg7 : memref<64x1024xf32, #tpu.memory_space<vmem>>) dst(%dma_wait3A_29 : memref<6144x1024xf32, #tpu.memory_space<hbm>>)
    return
  }
}

module attributes {stable_mosaic.version = 14 : i64} {
  func.func @_router_body(%arg0: memref<2048x1024xf32, #tpu.memory_space<vmem>>, %arg1: memref<128x1024xf32, #tpu.memory_space<vmem>>, %arg2: memref<1x128xf32, #tpu.memory_space<vmem>>, %arg3: memref<2048x1xi32, #tpu.memory_space<vmem>>, %arg4: memref<2048x1xi32, #tpu.memory_space<vmem>>, %arg5: memref<2048x1xf32, #tpu.memory_space<vmem>>, %arg6: memref<2048x1xf32, #tpu.memory_space<vmem>>, %arg7: memref<1x128xi32, #tpu.memory_space<vmem>>, %arg8: memref<1x128xi32, #tpu.memory_space<vmem>>) attributes {dimension_semantics = [], scalar_prefetch = 0 : i64, scratch_operands = 0 : i64, tpu.core_type = #tpu.core_type<tc>} {
    %get3A = arith.constant 0 : index
    %get3A_0 = arith.constant 0 : index
    %get3A_1 = vector.load %arg0[%get3A, %get3A_0] : memref<2048x1024xf32, #tpu.memory_space<vmem>>, vector<2048x1024xf32>
    %get3A_2 = arith.constant 0 : index
    %get3A_3 = arith.constant 0 : index
    %get3A_4 = vector.load %arg1[%get3A_2, %get3A_3] : memref<128x1024xf32, #tpu.memory_space<vmem>>, vector<128x1024xf32>
    %dot_general3A = arith.constant dense<0.000000e+00> : vector<2048x128xf32>
    %dot_general3A_5 = tpu.matmul %get3A_1, %get3A_4, %dot_general3A {dimension_numbers = #tpu.dot_dimension_numbers<[1], [1], [0], [0], [0, 0, 1, 0], [], []>, transpose_lhs_hint = false} : vector<2048x1024xf32>, vector<128x1024xf32>, vector<2048x128xf32> -> vector<2048x128xf32>
    %logistic3A = arith.negf %dot_general3A_5 : vector<2048x128xf32>
    %logistic3A_6 = math.exp %logistic3A : vector<2048x128xf32>
    %logistic3A_7 = arith.constant 1.000000e+00 : f32
    %logistic3A_8 = vector.broadcast %logistic3A_7 : f32 to vector<2048x128xf32>
    %logistic3A_9 = arith.addf %logistic3A_8, %logistic3A_6 : vector<2048x128xf32>
    %logistic3A_10 = arith.divf %logistic3A_8, %logistic3A_9 : vector<2048x128xf32>
    %get3A_11 = arith.constant 0 : index
    %get3A_12 = arith.constant 0 : index
    %get3A_13 = vector.load %arg2[%get3A_11, %get3A_12] : memref<1x128xf32, #tpu.memory_space<vmem>>, vector<1x128xf32>
    %add3A = vector.broadcast %get3A_13 : vector<1x128xf32> to vector<2048x128xf32>
    %add3A_14 = arith.addf %logistic3A_10, %add3A : vector<2048x128xf32>
    %reduce_max3A = arith.constant dense<0xFF800000> : vector<2048xf32>
    %reduce_max3A_15 = vector.multi_reduction <maximumf>, %add3A_14, %reduce_max3A [1] : vector<2048x128xf32> to vector<2048xf32>
    %broadcast_in_dim3A = vector.shape_cast %reduce_max3A_15 : vector<2048xf32> to vector<2048x1xf32>
    %ge3A = vector.broadcast %broadcast_in_dim3A : vector<2048x1xf32> to vector<2048x128xf32>
    %ge3A_16 = arith.cmpf oge, %add3A_14, %ge3A : vector<2048x128xf32>
    %jit3A = arith.constant 0xFF800000 : f32
    %broadcast_in_dim3A_17 = vector.broadcast %jit3A : f32 to vector<2048x128xf32>
    %select_n3A = arith.select %ge3A_16, %broadcast_in_dim3A_17, %add3A_14 : vector<2048x128xi1>, vector<2048x128xf32>
    %reduce_max3A_18 = arith.constant dense<0xFF800000> : vector<2048xf32>
    %reduce_max3A_19 = vector.multi_reduction <maximumf>, %select_n3A, %reduce_max3A_18 [1] : vector<2048x128xf32> to vector<2048xf32>
    %broadcast_in_dim3A_20 = vector.shape_cast %reduce_max3A_19 : vector<2048xf32> to vector<2048x1xf32>
    %ge3A_21 = vector.broadcast %broadcast_in_dim3A_20 : vector<2048x1xf32> to vector<2048x128xf32>
    %ge3A_22 = arith.cmpf oge, %select_n3A, %ge3A_21 : vector<2048x128xf32>
    %convert_element_type3A = arith.extui %ge3A_16 : vector<2048x128xi1> to vector<2048x128xi32>
    %convert_element_type3A_23 = arith.sitofp %convert_element_type3A : vector<2048x128xi32> to vector<2048x128xf32>
    %convert_element_type3A_24 = arith.extui %ge3A_22 : vector<2048x128xi1> to vector<2048x128xi32>
    %convert_element_type3A_25 = arith.sitofp %convert_element_type3A_24 : vector<2048x128xi32> to vector<2048x128xf32>
    %add3A_26 = arith.addf %convert_element_type3A_23, %convert_element_type3A_25 : vector<2048x128xf32>
    %mul3A = arith.mulf %logistic3A_10, %add3A_26 : vector<2048x128xf32>
    %reduce_sum3A = arith.constant dense<0.000000e+00> : vector<2048xf32>
    %reduce_sum3A_27 = vector.multi_reduction <add>, %mul3A, %reduce_sum3A [1] : vector<2048x128xf32> to vector<2048xf32>
    %broadcast_in_dim3A_28 = vector.shape_cast %reduce_sum3A_27 : vector<2048xf32> to vector<2048x1xf32>
    %add3A_29 = arith.constant 9.99999968E-21 : f32
    %add3A_30 = vector.broadcast %add3A_29 : f32 to vector<2048x1xf32>
    %add3A_31 = arith.addf %broadcast_in_dim3A_28, %add3A_30 : vector<2048x1xf32>
    %mul3A_32 = arith.mulf %logistic3A_10, %convert_element_type3A_23 : vector<2048x128xf32>
    %reduce_sum3A_33 = arith.constant dense<0.000000e+00> : vector<2048xf32>
    %reduce_sum3A_34 = vector.multi_reduction <add>, %mul3A_32, %reduce_sum3A_33 [1] : vector<2048x128xf32> to vector<2048xf32>
    %broadcast_in_dim3A_35 = vector.shape_cast %reduce_sum3A_34 : vector<2048xf32> to vector<2048x1xf32>
    %mul3A_36 = arith.constant 2.500000e+00 : f32
    %mul3A_37 = vector.broadcast %mul3A_36 : f32 to vector<2048x1xf32>
    %mul3A_38 = arith.mulf %broadcast_in_dim3A_35, %mul3A_37 : vector<2048x1xf32>
    %div3A = arith.divf %mul3A_38, %add3A_31 : vector<2048x1xf32>
    %swap3A = arith.constant 0 : index
    %swap3A_39 = arith.constant 0 : index
    %swap3A_40 = vector.load %arg5[%swap3A, %swap3A_39] : memref<2048x1xf32, #tpu.memory_space<vmem>>, vector<2048x1xf32>
    tpu.vector_store %arg5[%swap3A, %swap3A_39], %div3A {strides = array<i32>} : memref<2048x1xf32, #tpu.memory_space<vmem>>, vector<2048x1xf32>,
    %mul3A_41 = arith.mulf %logistic3A_10, %convert_element_type3A_25 : vector<2048x128xf32>
    %reduce_sum3A_42 = arith.constant dense<0.000000e+00> : vector<2048xf32>
    %reduce_sum3A_43 = vector.multi_reduction <add>, %mul3A_41, %reduce_sum3A_42 [1] : vector<2048x128xf32> to vector<2048xf32>
    %broadcast_in_dim3A_44 = vector.shape_cast %reduce_sum3A_43 : vector<2048xf32> to vector<2048x1xf32>
    %mul3A_45 = arith.constant 2.500000e+00 : f32
    %mul3A_46 = vector.broadcast %mul3A_45 : f32 to vector<2048x1xf32>
    %mul3A_47 = arith.mulf %broadcast_in_dim3A_44, %mul3A_46 : vector<2048x1xf32>
    %div3A_48 = arith.divf %mul3A_47, %add3A_31 : vector<2048x1xf32>
    %swap3A_49 = arith.constant 0 : index
    %swap3A_50 = arith.constant 0 : index
    %swap3A_51 = vector.load %arg6[%swap3A_49, %swap3A_50] : memref<2048x1xf32, #tpu.memory_space<vmem>>, vector<2048x1xf32>
    tpu.vector_store %arg6[%swap3A_49, %swap3A_50], %div3A_48 {strides = array<i32>} : memref<2048x1xf32, #tpu.memory_space<vmem>>, vector<2048x1xf32>,
    %add3A_52 = arith.addf %convert_element_type3A_23, %convert_element_type3A_25 : vector<2048x128xf32>
    %broadcast_in_dim3A_53 = arith.constant 0.000000e+00 : f32
    %broadcast_in_dim3A_54 = vector.broadcast %broadcast_in_dim3A_53 : f32 to vector<1x128xf32>
    %slice3A = vector.extract_strided_slice %add3A_52 {offsets = [0, 0], sizes = [2047, 128], strides = [1, 1]} : vector<2048x128xf32> to vector<2047x128xf32>
    %concatenate3A = tpu.concatenate %broadcast_in_dim3A_54, %slice3A in 0 : vector<1x128xf32>, vector<2047x128xf32> -> vector<2048x128xf32>
    %add3A_55 = arith.addf %add3A_52, %concatenate3A : vector<2048x128xf32>
    %broadcast_in_dim3A_56 = arith.constant 0.000000e+00 : f32
    %broadcast_in_dim3A_57 = vector.broadcast %broadcast_in_dim3A_56 : f32 to vector<2x128xf32>
    %slice3A_58 = vector.extract_strided_slice %add3A_55 {offsets = [0, 0], sizes = [2046, 128], strides = [1, 1]} : vector<2048x128xf32> to vector<2046x128xf32>
    %concatenate3A_59 = tpu.concatenate %broadcast_in_dim3A_57, %slice3A_58 in 0 : vector<2x128xf32>, vector<2046x128xf32> -> vector<2048x128xf32>
    %add3A_60 = arith.addf %add3A_55, %concatenate3A_59 : vector<2048x128xf32>
    %broadcast_in_dim3A_61 = arith.constant 0.000000e+00 : f32
    %broadcast_in_dim3A_62 = vector.broadcast %broadcast_in_dim3A_61 : f32 to vector<4x128xf32>
    %slice3A_63 = vector.extract_strided_slice %add3A_60 {offsets = [0, 0], sizes = [2044, 128], strides = [1, 1]} : vector<2048x128xf32> to vector<2044x128xf32>
    %concatenate3A_64 = tpu.concatenate %broadcast_in_dim3A_62, %slice3A_63 in 0 : vector<4x128xf32>, vector<2044x128xf32> -> vector<2048x128xf32>
    %add3A_65 = arith.addf %add3A_60, %concatenate3A_64 : vector<2048x128xf32>
    %broadcast_in_dim3A_66 = arith.constant 0.000000e+00 : f32
    %broadcast_in_dim3A_67 = vector.broadcast %broadcast_in_dim3A_66 : f32 to vector<8x128xf32>
    %slice3A_68 = vector.extract_strided_slice %add3A_65 {offsets = [0, 0], sizes = [2040, 128], strides = [1, 1]} : vector<2048x128xf32> to vector<2040x128xf32>
    %concatenate3A_69 = tpu.concatenate %broadcast_in_dim3A_67, %slice3A_68 in 0 : vector<8x128xf32>, vector<2040x128xf32> -> vector<2048x128xf32>
    %add3A_70 = arith.addf %add3A_65, %concatenate3A_69 : vector<2048x128xf32>
    %broadcast_in_dim3A_71 = arith.constant 0.000000e+00 : f32
    %broadcast_in_dim3A_72 = vector.broadcast %broadcast_in_dim3A_71 : f32 to vector<16x128xf32>
    %slice3A_73 = vector.extract_strided_slice %add3A_70 {offsets = [0, 0], sizes = [2032, 128], strides = [1, 1]} : vector<2048x128xf32> to vector<2032x128xf32>
    %concatenate3A_74 = tpu.concatenate %broadcast_in_dim3A_72, %slice3A_73 in 0 : vector<16x128xf32>, vector<2032x128xf32> -> vector<2048x128xf32>
    %add3A_75 = arith.addf %add3A_70, %concatenate3A_74 : vector<2048x128xf32>
    %broadcast_in_dim3A_76 = arith.constant 0.000000e+00 : f32
    %broadcast_in_dim3A_77 = vector.broadcast %broadcast_in_dim3A_76 : f32 to vector<32x128xf32>
    %slice3A_78 = vector.extract_strided_slice %add3A_75 {offsets = [0, 0], sizes = [2016, 128], strides = [1, 1]} : vector<2048x128xf32> to vector<2016x128xf32>
    %concatenate3A_79 = tpu.concatenate %broadcast_in_dim3A_77, %slice3A_78 in 0 : vector<32x128xf32>, vector<2016x128xf32> -> vector<2048x128xf32>
    %add3A_80 = arith.addf %add3A_75, %concatenate3A_79 : vector<2048x128xf32>
    %broadcast_in_dim3A_81 = arith.constant 0.000000e+00 : f32
    %broadcast_in_dim3A_82 = vector.broadcast %broadcast_in_dim3A_81 : f32 to vector<64x128xf32>
    %slice3A_83 = vector.extract_strided_slice %add3A_80 {offsets = [0, 0], sizes = [1984, 128], strides = [1, 1]} : vector<2048x128xf32> to vector<1984x128xf32>
    %concatenate3A_84 = tpu.concatenate %broadcast_in_dim3A_82, %slice3A_83 in 0 : vector<64x128xf32>, vector<1984x128xf32> -> vector<2048x128xf32>
    %add3A_85 = arith.addf %add3A_80, %concatenate3A_84 : vector<2048x128xf32>
    %broadcast_in_dim3A_86 = arith.constant 0.000000e+00 : f32
    %broadcast_in_dim3A_87 = vector.broadcast %broadcast_in_dim3A_86 : f32 to vector<128x128xf32>
    %slice3A_88 = vector.extract_strided_slice %add3A_85 {offsets = [0, 0], sizes = [1920, 128], strides = [1, 1]} : vector<2048x128xf32> to vector<1920x128xf32>
    %concatenate3A_89 = tpu.concatenate %broadcast_in_dim3A_87, %slice3A_88 in 0 : vector<128x128xf32>, vector<1920x128xf32> -> vector<2048x128xf32>
    %add3A_90 = arith.addf %add3A_85, %concatenate3A_89 : vector<2048x128xf32>
    %broadcast_in_dim3A_91 = arith.constant 0.000000e+00 : f32
    %broadcast_in_dim3A_92 = vector.broadcast %broadcast_in_dim3A_91 : f32 to vector<256x128xf32>
    %slice3A_93 = vector.extract_strided_slice %add3A_90 {offsets = [0, 0], sizes = [1792, 128], strides = [1, 1]} : vector<2048x128xf32> to vector<1792x128xf32>
    %concatenate3A_94 = tpu.concatenate %broadcast_in_dim3A_92, %slice3A_93 in 0 : vector<256x128xf32>, vector<1792x128xf32> -> vector<2048x128xf32>
    %add3A_95 = arith.addf %add3A_90, %concatenate3A_94 : vector<2048x128xf32>
    %broadcast_in_dim3A_96 = arith.constant 0.000000e+00 : f32
    %broadcast_in_dim3A_97 = vector.broadcast %broadcast_in_dim3A_96 : f32 to vector<512x128xf32>
    %slice3A_98 = vector.extract_strided_slice %add3A_95 {offsets = [0, 0], sizes = [1536, 128], strides = [1, 1]} : vector<2048x128xf32> to vector<1536x128xf32>
    %concatenate3A_99 = tpu.concatenate %broadcast_in_dim3A_97, %slice3A_98 in 0 : vector<512x128xf32>, vector<1536x128xf32> -> vector<2048x128xf32>
    %add3A_100 = arith.addf %add3A_95, %concatenate3A_99 : vector<2048x128xf32>
    %broadcast_in_dim3A_101 = arith.constant 0.000000e+00 : f32
    %broadcast_in_dim3A_102 = vector.broadcast %broadcast_in_dim3A_101 : f32 to vector<1024x128xf32>
    %slice3A_103 = vector.extract_strided_slice %add3A_100 {offsets = [0, 0], sizes = [1024, 128], strides = [1, 1]} : vector<2048x128xf32> to vector<1024x128xf32>
    %concatenate3A_104 = tpu.concatenate %broadcast_in_dim3A_102, %slice3A_103 in 0 : vector<1024x128xf32>, vector<1024x128xf32> -> vector<2048x128xf32>
    %add3A_105 = arith.addf %add3A_100, %concatenate3A_104 : vector<2048x128xf32>
    %sub3A = arith.subf %add3A_105, %add3A_52 : vector<2048x128xf32>
    %slice3A_106 = vector.extract_strided_slice %add3A_105 {offsets = [2047, 0], sizes = [1, 128], strides = [1, 1]} : vector<2048x128xf32> to vector<1x128xf32>
    %convert_element_type3A_107 = arith.fptosi %slice3A_106 : vector<1x128xf32> to vector<1x128xi32>
    %iota3A = tpu.iota {dimensions = array<i32: 1>} : vector<1x128xi32>
    %mul3A_108 = arith.constant 256 : i32
    %mul3A_109 = vector.broadcast %mul3A_108 : i32 to vector<1x128xi32>
    %mul3A_110 = arith.muli %iota3A, %mul3A_109 : vector<1x128xi32>
    %broadcast_in_dim3A_111 = arith.constant 0.000000e+00 : f32
    %broadcast_in_dim3A_112 = vector.broadcast %broadcast_in_dim3A_111 : f32 to vector<1x128xf32>
    %broadcast_in_dim3A_113 = arith.constant 0 : i32
    %broadcast_in_dim3A_114 = vector.broadcast %broadcast_in_dim3A_113 : i32 to vector<1x128xi32>
    %eq3A = arith.constant 0 : i32
    %eq3A_115 = vector.broadcast %eq3A : i32 to vector<1x128xi32>
    %eq3A_116 = arith.cmpi eq, %iota3A, %eq3A_115 : vector<1x128xi32>
    %jit3A_117 = arith.constant 0 : i32
    %broadcast_in_dim3A_118 = vector.broadcast %jit3A_117 : i32 to vector<1x128xi32>
    %select_n3A_119 = arith.select %eq3A_116, %convert_element_type3A_107, %broadcast_in_dim3A_118 : vector<1x128xi1>, vector<1x128xi32>
    %reduce_sum3A_120 = vector.shape_cast %select_n3A_119 : vector<1x128xi32> to vector<1x1x128xi32>
    %reduce_sum3A_121 = arith.constant dense<0> : vector<1xi32>
    %reduce_sum3A_122 = vector.multi_reduction <add>, %reduce_sum3A_120, %reduce_sum3A_121 [1, 2] : vector<1x1x128xi32> to vector<1xi32>
    %reduce_sum3A_123 = vector.shape_cast %reduce_sum3A_122 : vector<1xi32> to vector<1x1x1xi32>
    %reduce_sum3A_124 = vector.extract %reduce_sum3A_123[0, 0, 0] : i32 from vector<1x1x1xi32>
    %add3A_125 = arith.constant 256 : i32
    %add3A_126 = arith.addi %reduce_sum3A_124, %add3A_125 : i32
    %sub3A_127 = arith.constant 1 : i32
    %sub3A_128 = arith.subi %add3A_126, %sub3A_127 : i32
    %jit3A_129 = arith.constant 256 : i32
    %div3A_130 = arith.divsi %sub3A_128, %jit3A_129 : i32
    %sign3A = arith.constant 0 : i32
    %sign3A_131 = arith.cmpi sgt, %sub3A_128, %sign3A : i32
    %sign3A_132 = arith.extui %sign3A_131 : i1 to i32
    %sign3A_133 = arith.constant 0 : i32
    %sign3A_134 = arith.cmpi slt, %sub3A_128, %sign3A_133 : i32
    %sign3A_135 = arith.extui %sign3A_134 : i1 to i32
    %sign3A_136 = arith.subi %sign3A_132, %sign3A_135 : i32
    %sign3A_137 = arith.constant 0 : i32
    %sign3A_138 = arith.cmpi sgt, %jit3A_129, %sign3A_137 : i32
    %sign3A_139 = arith.extui %sign3A_138 : i1 to i32
    %sign3A_140 = arith.constant 0 : i32
    %sign3A_141 = arith.cmpi slt, %jit3A_129, %sign3A_140 : i32
    %sign3A_142 = arith.extui %sign3A_141 : i1 to i32
    %sign3A_143 = arith.subi %sign3A_139, %sign3A_142 : i32
    %ne3A = arith.cmpi ne, %sign3A_136, %sign3A_143 : i32
    %rem3A = arith.remsi %sub3A_128, %jit3A_129 : i32
    %ne3A_144 = arith.constant 0 : i32
    %ne3A_145 = arith.cmpi ne, %rem3A, %ne3A_144 : i32
    %and3A = arith.andi %ne3A, %ne3A_145 : i1
    %sub3A_146 = arith.constant 1 : i32
    %sub3A_147 = arith.subi %div3A_130, %sub3A_146 : i32
    %select_n3A_148 = arith.select %and3A, %sub3A_147, %div3A_130 : i32
    %mul3A_149 = arith.constant 256 : i32
    %mul3A_150 = arith.muli %select_n3A_148, %mul3A_149 : i32
    %jit3A_151 = arith.constant 0 : i32
    %jit3A_152 = arith.constant 0 : i32
    %broadcast_in_dim3A_153 = vector.broadcast %jit3A_151 : i32 to vector<1x128xi32>
    %broadcast_in_dim3A_154 = vector.broadcast %jit3A_152 : i32 to vector<1x128xi32>
    %select_n3A_155 = arith.select %eq3A_116, %broadcast_in_dim3A_153, %broadcast_in_dim3A_154 : vector<1x128xi1>, vector<1x128xi32>
    %convert_element_type3A_156 = arith.sitofp %select_n3A_155 : vector<1x128xi32> to vector<1x128xf32>
    %add3A_157 = arith.addf %broadcast_in_dim3A_112, %convert_element_type3A_156 : vector<1x128xf32>
    %add3A_158 = arith.constant 0 : i32
    %add3A_159 = arith.addi %add3A_158, %mul3A_150 : i32
    %ge3A_160 = vector.broadcast %add3A_159 : i32 to vector<1x128xi32>
    %ge3A_161 = arith.cmpi sge, %mul3A_110, %ge3A_160 : vector<1x128xi32>
    %convert_element_type3A_162 = arith.extui %ge3A_161 : vector<1x128xi1> to vector<1x128xi32>
    %add3A_163 = arith.addi %broadcast_in_dim3A_114, %convert_element_type3A_162 : vector<1x128xi32>
    %eq3A_164 = arith.constant 1 : i32
    %eq3A_165 = vector.broadcast %eq3A_164 : i32 to vector<1x128xi32>
    %eq3A_166 = arith.cmpi eq, %iota3A, %eq3A_165 : vector<1x128xi32>
    %jit3A_167 = arith.constant 0 : i32
    %broadcast_in_dim3A_168 = vector.broadcast %jit3A_167 : i32 to vector<1x128xi32>
    %select_n3A_169 = arith.select %eq3A_166, %convert_element_type3A_107, %broadcast_in_dim3A_168 : vector<1x128xi1>, vector<1x128xi32>
    %reduce_sum3A_170 = vector.shape_cast %select_n3A_169 : vector<1x128xi32> to vector<1x1x128xi32>
    %reduce_sum3A_171 = arith.constant dense<0> : vector<1xi32>
    %reduce_sum3A_172 = vector.multi_reduction <add>, %reduce_sum3A_170, %reduce_sum3A_171 [1, 2] : vector<1x1x128xi32> to vector<1xi32>
    %reduce_sum3A_173 = vector.shape_cast %reduce_sum3A_172 : vector<1xi32> to vector<1x1x1xi32>
    %reduce_sum3A_174 = vector.extract %reduce_sum3A_173[0, 0, 0] : i32 from vector<1x1x1xi32>
    %add3A_175 = arith.constant 256 : i32
    %add3A_176 = arith.addi %reduce_sum3A_174, %add3A_175 : i32
    %sub3A_177 = arith.constant 1 : i32
    %sub3A_178 = arith.subi %add3A_176, %sub3A_177 : i32
    %jit3A_179 = arith.constant 256 : i32
    %div3A_180 = arith.divsi %sub3A_178, %jit3A_179 : i32
    %sign3A_181 = arith.constant 0 : i32
    %sign3A_182 = arith.cmpi sgt, %sub3A_178, %sign3A_181 : i32
    %sign3A_183 = arith.extui %sign3A_182 : i1 to i32
    %sign3A_184 = arith.constant 0 : i32
    %sign3A_185 = arith.cmpi slt, %sub3A_178, %sign3A_184 : i32
    %sign3A_186 = arith.extui %sign3A_185 : i1 to i32
    %sign3A_187 = arith.subi %sign3A_183, %sign3A_186 : i32
    %sign3A_188 = arith.constant 0 : i32
    %sign3A_189 = arith.cmpi sgt, %jit3A_179, %sign3A_188 : i32
    %sign3A_190 = arith.extui %sign3A_189 : i1 to i32
    %sign3A_191 = arith.constant 0 : i32
    %sign3A_192 = arith.cmpi slt, %jit3A_179, %sign3A_191 : i32
    %sign3A_193 = arith.extui %sign3A_192 : i1 to i32
    %sign3A_194 = arith.subi %sign3A_190, %sign3A_193 : i32
    %ne3A_195 = arith.cmpi ne, %sign3A_187, %sign3A_194 : i32
    %rem3A_196 = arith.remsi %sub3A_178, %jit3A_179 : i32
    %ne3A_197 = arith.constant 0 : i32
    %ne3A_198 = arith.cmpi ne, %rem3A_196, %ne3A_197 : i32
    %and3A_199 = arith.andi %ne3A_195, %ne3A_198 : i1
    %sub3A_200 = arith.constant 1 : i32
    %sub3A_201 = arith.subi %div3A_180, %sub3A_200 : i32
    %select_n3A_202 = arith.select %and3A_199, %sub3A_201, %div3A_180 : i32
    %mul3A_203 = arith.constant 256 : i32
    %mul3A_204 = arith.muli %select_n3A_202, %mul3A_203 : i32
    %jit3A_205 = arith.constant 0 : i32
    %broadcast_in_dim3A_206 = vector.broadcast %add3A_159 : i32 to vector<1x128xi32>
    %broadcast_in_dim3A_207 = vector.broadcast %jit3A_205 : i32 to vector<1x128xi32>
    %select_n3A_208 = arith.select %eq3A_166, %broadcast_in_dim3A_206, %broadcast_in_dim3A_207 : vector<1x128xi1>, vector<1x128xi32>
    %convert_element_type3A_209 = arith.sitofp %select_n3A_208 : vector<1x128xi32> to vector<1x128xf32>
    %add3A_210 = arith.addf %add3A_157, %convert_element_type3A_209 : vector<1x128xf32>
    %add3A_211 = arith.addi %add3A_159, %mul3A_204 : i32
    %ge3A_212 = vector.broadcast %add3A_211 : i32 to vector<1x128xi32>
    %ge3A_213 = arith.cmpi sge, %mul3A_110, %ge3A_212 : vector<1x128xi32>
    %convert_element_type3A_214 = arith.extui %ge3A_213 : vector<1x128xi1> to vector<1x128xi32>
    %add3A_215 = arith.addi %add3A_163, %convert_element_type3A_214 : vector<1x128xi32>
    %eq3A_216 = arith.constant 2 : i32
    %eq3A_217 = vector.broadcast %eq3A_216 : i32 to vector<1x128xi32>
    %eq3A_218 = arith.cmpi eq, %iota3A, %eq3A_217 : vector<1x128xi32>
    %jit3A_219 = arith.constant 0 : i32
    %broadcast_in_dim3A_220 = vector.broadcast %jit3A_219 : i32 to vector<1x128xi32>
    %select_n3A_221 = arith.select %eq3A_218, %convert_element_type3A_107, %broadcast_in_dim3A_220 : vector<1x128xi1>, vector<1x128xi32>
    %reduce_sum3A_222 = vector.shape_cast %select_n3A_221 : vector<1x128xi32> to vector<1x1x128xi32>
    %reduce_sum3A_223 = arith.constant dense<0> : vector<1xi32>
    %reduce_sum3A_224 = vector.multi_reduction <add>, %reduce_sum3A_222, %reduce_sum3A_223 [1, 2] : vector<1x1x128xi32> to vector<1xi32>
    %reduce_sum3A_225 = vector.shape_cast %reduce_sum3A_224 : vector<1xi32> to vector<1x1x1xi32>
    %reduce_sum3A_226 = vector.extract %reduce_sum3A_225[0, 0, 0] : i32 from vector<1x1x1xi32>
    %add3A_227 = arith.constant 256 : i32
    %add3A_228 = arith.addi %reduce_sum3A_226, %add3A_227 : i32
    %sub3A_229 = arith.constant 1 : i32
    %sub3A_230 = arith.subi %add3A_228, %sub3A_229 : i32
    %jit3A_231 = arith.constant 256 : i32
    %div3A_232 = arith.divsi %sub3A_230, %jit3A_231 : i32
    %sign3A_233 = arith.constant 0 : i32
    %sign3A_234 = arith.cmpi sgt, %sub3A_230, %sign3A_233 : i32
    %sign3A_235 = arith.extui %sign3A_234 : i1 to i32
    %sign3A_236 = arith.constant 0 : i32
    %sign3A_237 = arith.cmpi slt, %sub3A_230, %sign3A_236 : i32
    %sign3A_238 = arith.extui %sign3A_237 : i1 to i32
    %sign3A_239 = arith.subi %sign3A_235, %sign3A_238 : i32
    %sign3A_240 = arith.constant 0 : i32
    %sign3A_241 = arith.cmpi sgt, %jit3A_231, %sign3A_240 : i32
    %sign3A_242 = arith.extui %sign3A_241 : i1 to i32
    %sign3A_243 = arith.constant 0 : i32
    %sign3A_244 = arith.cmpi slt, %jit3A_231, %sign3A_243 : i32
    %sign3A_245 = arith.extui %sign3A_244 : i1 to i32
    %sign3A_246 = arith.subi %sign3A_242, %sign3A_245 : i32
    %ne3A_247 = arith.cmpi ne, %sign3A_239, %sign3A_246 : i32
    %rem3A_248 = arith.remsi %sub3A_230, %jit3A_231 : i32
    %ne3A_249 = arith.constant 0 : i32
    %ne3A_250 = arith.cmpi ne, %rem3A_248, %ne3A_249 : i32
    %and3A_251 = arith.andi %ne3A_247, %ne3A_250 : i1
    %sub3A_252 = arith.constant 1 : i32
    %sub3A_253 = arith.subi %div3A_232, %sub3A_252 : i32
    %select_n3A_254 = arith.select %and3A_251, %sub3A_253, %div3A_232 : i32
    %mul3A_255 = arith.constant 256 : i32
    %mul3A_256 = arith.muli %select_n3A_254, %mul3A_255 : i32
    %jit3A_257 = arith.constant 0 : i32
    %broadcast_in_dim3A_258 = vector.broadcast %add3A_211 : i32 to vector<1x128xi32>
    %broadcast_in_dim3A_259 = vector.broadcast %jit3A_257 : i32 to vector<1x128xi32>
    %select_n3A_260 = arith.select %eq3A_218, %broadcast_in_dim3A_258, %broadcast_in_dim3A_259 : vector<1x128xi1>, vector<1x128xi32>
    %convert_element_type3A_261 = arith.sitofp %select_n3A_260 : vector<1x128xi32> to vector<1x128xf32>
    %add3A_262 = arith.addf %add3A_210, %convert_element_type3A_261 : vector<1x128xf32>
    %add3A_263 = arith.addi %add3A_211, %mul3A_256 : i32
    %ge3A_264 = vector.broadcast %add3A_263 : i32 to vector<1x128xi32>
    %ge3A_265 = arith.cmpi sge, %mul3A_110, %ge3A_264 : vector<1x128xi32>
    %convert_element_type3A_266 = arith.extui %ge3A_265 : vector<1x128xi1> to vector<1x128xi32>
    %add3A_267 = arith.addi %add3A_215, %convert_element_type3A_266 : vector<1x128xi32>
    %eq3A_268 = arith.constant 3 : i32
    %eq3A_269 = vector.broadcast %eq3A_268 : i32 to vector<1x128xi32>
    %eq3A_270 = arith.cmpi eq, %iota3A, %eq3A_269 : vector<1x128xi32>
    %jit3A_271 = arith.constant 0 : i32
    %broadcast_in_dim3A_272 = vector.broadcast %jit3A_271 : i32 to vector<1x128xi32>
    %select_n3A_273 = arith.select %eq3A_270, %convert_element_type3A_107, %broadcast_in_dim3A_272 : vector<1x128xi1>, vector<1x128xi32>
    %reduce_sum3A_274 = vector.shape_cast %select_n3A_273 : vector<1x128xi32> to vector<1x1x128xi32>
    %reduce_sum3A_275 = arith.constant dense<0> : vector<1xi32>
    %reduce_sum3A_276 = vector.multi_reduction <add>, %reduce_sum3A_274, %reduce_sum3A_275 [1, 2] : vector<1x1x128xi32> to vector<1xi32>
    %reduce_sum3A_277 = vector.shape_cast %reduce_sum3A_276 : vector<1xi32> to vector<1x1x1xi32>
    %reduce_sum3A_278 = vector.extract %reduce_sum3A_277[0, 0, 0] : i32 from vector<1x1x1xi32>
    %add3A_279 = arith.constant 256 : i32
    %add3A_280 = arith.addi %reduce_sum3A_278, %add3A_279 : i32
    %sub3A_281 = arith.constant 1 : i32
    %sub3A_282 = arith.subi %add3A_280, %sub3A_281 : i32
    %jit3A_283 = arith.constant 256 : i32
    %div3A_284 = arith.divsi %sub3A_282, %jit3A_283 : i32
    %sign3A_285 = arith.constant 0 : i32
    %sign3A_286 = arith.cmpi sgt, %sub3A_282, %sign3A_285 : i32
    %sign3A_287 = arith.extui %sign3A_286 : i1 to i32
    %sign3A_288 = arith.constant 0 : i32
    %sign3A_289 = arith.cmpi slt, %sub3A_282, %sign3A_288 : i32
    %sign3A_290 = arith.extui %sign3A_289 : i1 to i32
    %sign3A_291 = arith.subi %sign3A_287, %sign3A_290 : i32
    %sign3A_292 = arith.constant 0 : i32
    %sign3A_293 = arith.cmpi sgt, %jit3A_283, %sign3A_292 : i32
    %sign3A_294 = arith.extui %sign3A_293 : i1 to i32
    %sign3A_295 = arith.constant 0 : i32
    %sign3A_296 = arith.cmpi slt, %jit3A_283, %sign3A_295 : i32
    %sign3A_297 = arith.extui %sign3A_296 : i1 to i32
    %sign3A_298 = arith.subi %sign3A_294, %sign3A_297 : i32
    %ne3A_299 = arith.cmpi ne, %sign3A_291, %sign3A_298 : i32
    %rem3A_300 = arith.remsi %sub3A_282, %jit3A_283 : i32
    %ne3A_301 = arith.constant 0 : i32
    %ne3A_302 = arith.cmpi ne, %rem3A_300, %ne3A_301 : i32
    %and3A_303 = arith.andi %ne3A_299, %ne3A_302 : i1
    %sub3A_304 = arith.constant 1 : i32
    %sub3A_305 = arith.subi %div3A_284, %sub3A_304 : i32
    %select_n3A_306 = arith.select %and3A_303, %sub3A_305, %div3A_284 : i32
    %mul3A_307 = arith.constant 256 : i32
    %mul3A_308 = arith.muli %select_n3A_306, %mul3A_307 : i32
    %jit3A_309 = arith.constant 0 : i32
    %broadcast_in_dim3A_310 = vector.broadcast %add3A_263 : i32 to vector<1x128xi32>
    %broadcast_in_dim3A_311 = vector.broadcast %jit3A_309 : i32 to vector<1x128xi32>
    %select_n3A_312 = arith.select %eq3A_270, %broadcast_in_dim3A_310, %broadcast_in_dim3A_311 : vector<1x128xi1>, vector<1x128xi32>
    %convert_element_type3A_313 = arith.sitofp %select_n3A_312 : vector<1x128xi32> to vector<1x128xf32>
    %add3A_314 = arith.addf %add3A_262, %convert_element_type3A_313 : vector<1x128xf32>
    %add3A_315 = arith.addi %add3A_263, %mul3A_308 : i32
    %ge3A_316 = vector.broadcast %add3A_315 : i32 to vector<1x128xi32>
    %ge3A_317 = arith.cmpi sge, %mul3A_110, %ge3A_316 : vector<1x128xi32>
    %convert_element_type3A_318 = arith.extui %ge3A_317 : vector<1x128xi1> to vector<1x128xi32>
    %add3A_319 = arith.addi %add3A_267, %convert_element_type3A_318 : vector<1x128xi32>
    %eq3A_320 = arith.constant 4 : i32
    %eq3A_321 = vector.broadcast %eq3A_320 : i32 to vector<1x128xi32>
    %eq3A_322 = arith.cmpi eq, %iota3A, %eq3A_321 : vector<1x128xi32>
    %jit3A_323 = arith.constant 0 : i32
    %broadcast_in_dim3A_324 = vector.broadcast %jit3A_323 : i32 to vector<1x128xi32>
    %select_n3A_325 = arith.select %eq3A_322, %convert_element_type3A_107, %broadcast_in_dim3A_324 : vector<1x128xi1>, vector<1x128xi32>
    %reduce_sum3A_326 = vector.shape_cast %select_n3A_325 : vector<1x128xi32> to vector<1x1x128xi32>
    %reduce_sum3A_327 = arith.constant dense<0> : vector<1xi32>
    %reduce_sum3A_328 = vector.multi_reduction <add>, %reduce_sum3A_326, %reduce_sum3A_327 [1, 2] : vector<1x1x128xi32> to vector<1xi32>
    %reduce_sum3A_329 = vector.shape_cast %reduce_sum3A_328 : vector<1xi32> to vector<1x1x1xi32>
    %reduce_sum3A_330 = vector.extract %reduce_sum3A_329[0, 0, 0] : i32 from vector<1x1x1xi32>
    %add3A_331 = arith.constant 256 : i32
    %add3A_332 = arith.addi %reduce_sum3A_330, %add3A_331 : i32
    %sub3A_333 = arith.constant 1 : i32
    %sub3A_334 = arith.subi %add3A_332, %sub3A_333 : i32
    %jit3A_335 = arith.constant 256 : i32
    %div3A_336 = arith.divsi %sub3A_334, %jit3A_335 : i32
    %sign3A_337 = arith.constant 0 : i32
    %sign3A_338 = arith.cmpi sgt, %sub3A_334, %sign3A_337 : i32
    %sign3A_339 = arith.extui %sign3A_338 : i1 to i32
    %sign3A_340 = arith.constant 0 : i32
    %sign3A_341 = arith.cmpi slt, %sub3A_334, %sign3A_340 : i32
    %sign3A_342 = arith.extui %sign3A_341 : i1 to i32
    %sign3A_343 = arith.subi %sign3A_339, %sign3A_342 : i32
    %sign3A_344 = arith.constant 0 : i32
    %sign3A_345 = arith.cmpi sgt, %jit3A_335, %sign3A_344 : i32
    %sign3A_346 = arith.extui %sign3A_345 : i1 to i32
    %sign3A_347 = arith.constant 0 : i32
    %sign3A_348 = arith.cmpi slt, %jit3A_335, %sign3A_347 : i32
    %sign3A_349 = arith.extui %sign3A_348 : i1 to i32
    %sign3A_350 = arith.subi %sign3A_346, %sign3A_349 : i32
    %ne3A_351 = arith.cmpi ne, %sign3A_343, %sign3A_350 : i32
    %rem3A_352 = arith.remsi %sub3A_334, %jit3A_335 : i32
    %ne3A_353 = arith.constant 0 : i32
    %ne3A_354 = arith.cmpi ne, %rem3A_352, %ne3A_353 : i32
    %and3A_355 = arith.andi %ne3A_351, %ne3A_354 : i1
    %sub3A_356 = arith.constant 1 : i32
    %sub3A_357 = arith.subi %div3A_336, %sub3A_356 : i32
    %select_n3A_358 = arith.select %and3A_355, %sub3A_357, %div3A_336 : i32
    %mul3A_359 = arith.constant 256 : i32
    %mul3A_360 = arith.muli %select_n3A_358, %mul3A_359 : i32
    %jit3A_361 = arith.constant 0 : i32
    %broadcast_in_dim3A_362 = vector.broadcast %add3A_315 : i32 to vector<1x128xi32>
    %broadcast_in_dim3A_363 = vector.broadcast %jit3A_361 : i32 to vector<1x128xi32>
    %select_n3A_364 = arith.select %eq3A_322, %broadcast_in_dim3A_362, %broadcast_in_dim3A_363 : vector<1x128xi1>, vector<1x128xi32>
    %convert_element_type3A_365 = arith.sitofp %select_n3A_364 : vector<1x128xi32> to vector<1x128xf32>
    %add3A_366 = arith.addf %add3A_314, %convert_element_type3A_365 : vector<1x128xf32>
    %add3A_367 = arith.addi %add3A_315, %mul3A_360 : i32
    %ge3A_368 = vector.broadcast %add3A_367 : i32 to vector<1x128xi32>
    %ge3A_369 = arith.cmpi sge, %mul3A_110, %ge3A_368 : vector<1x128xi32>
    %convert_element_type3A_370 = arith.extui %ge3A_369 : vector<1x128xi1> to vector<1x128xi32>
    %add3A_371 = arith.addi %add3A_319, %convert_element_type3A_370 : vector<1x128xi32>
    %eq3A_372 = arith.constant 5 : i32
    %eq3A_373 = vector.broadcast %eq3A_372 : i32 to vector<1x128xi32>
    %eq3A_374 = arith.cmpi eq, %iota3A, %eq3A_373 : vector<1x128xi32>
    %jit3A_375 = arith.constant 0 : i32
    %broadcast_in_dim3A_376 = vector.broadcast %jit3A_375 : i32 to vector<1x128xi32>
    %select_n3A_377 = arith.select %eq3A_374, %convert_element_type3A_107, %broadcast_in_dim3A_376 : vector<1x128xi1>, vector<1x128xi32>
    %reduce_sum3A_378 = vector.shape_cast %select_n3A_377 : vector<1x128xi32> to vector<1x1x128xi32>
    %reduce_sum3A_379 = arith.constant dense<0> : vector<1xi32>
    %reduce_sum3A_380 = vector.multi_reduction <add>, %reduce_sum3A_378, %reduce_sum3A_379 [1, 2] : vector<1x1x128xi32> to vector<1xi32>
    %reduce_sum3A_381 = vector.shape_cast %reduce_sum3A_380 : vector<1xi32> to vector<1x1x1xi32>
    %reduce_sum3A_382 = vector.extract %reduce_sum3A_381[0, 0, 0] : i32 from vector<1x1x1xi32>
    %add3A_383 = arith.constant 256 : i32
    %add3A_384 = arith.addi %reduce_sum3A_382, %add3A_383 : i32
    %sub3A_385 = arith.constant 1 : i32
    %sub3A_386 = arith.subi %add3A_384, %sub3A_385 : i32
    %jit3A_387 = arith.constant 256 : i32
    %div3A_388 = arith.divsi %sub3A_386, %jit3A_387 : i32
    %sign3A_389 = arith.constant 0 : i32
    %sign3A_390 = arith.cmpi sgt, %sub3A_386, %sign3A_389 : i32
    %sign3A_391 = arith.extui %sign3A_390 : i1 to i32
    %sign3A_392 = arith.constant 0 : i32
    %sign3A_393 = arith.cmpi slt, %sub3A_386, %sign3A_392 : i32
    %sign3A_394 = arith.extui %sign3A_393 : i1 to i32
    %sign3A_395 = arith.subi %sign3A_391, %sign3A_394 : i32
    %sign3A_396 = arith.constant 0 : i32
    %sign3A_397 = arith.cmpi sgt, %jit3A_387, %sign3A_396 : i32
    %sign3A_398 = arith.extui %sign3A_397 : i1 to i32
    %sign3A_399 = arith.constant 0 : i32
    %sign3A_400 = arith.cmpi slt, %jit3A_387, %sign3A_399 : i32
    %sign3A_401 = arith.extui %sign3A_400 : i1 to i32
    %sign3A_402 = arith.subi %sign3A_398, %sign3A_401 : i32
    %ne3A_403 = arith.cmpi ne, %sign3A_395, %sign3A_402 : i32
    %rem3A_404 = arith.remsi %sub3A_386, %jit3A_387 : i32
    %ne3A_405 = arith.constant 0 : i32
    %ne3A_406 = arith.cmpi ne, %rem3A_404, %ne3A_405 : i32
    %and3A_407 = arith.andi %ne3A_403, %ne3A_406 : i1
    %sub3A_408 = arith.constant 1 : i32
    %sub3A_409 = arith.subi %div3A_388, %sub3A_408 : i32
    %select_n3A_410 = arith.select %and3A_407, %sub3A_409, %div3A_388 : i32
    %mul3A_411 = arith.constant 256 : i32
    %mul3A_412 = arith.muli %select_n3A_410, %mul3A_411 : i32
    %jit3A_413 = arith.constant 0 : i32
    %broadcast_in_dim3A_414 = vector.broadcast %add3A_367 : i32 to vector<1x128xi32>
    %broadcast_in_dim3A_415 = vector.broadcast %jit3A_413 : i32 to vector<1x128xi32>
    %select_n3A_416 = arith.select %eq3A_374, %broadcast_in_dim3A_414, %broadcast_in_dim3A_415 : vector<1x128xi1>, vector<1x128xi32>
    %convert_element_type3A_417 = arith.sitofp %select_n3A_416 : vector<1x128xi32> to vector<1x128xf32>
    %add3A_418 = arith.addf %add3A_366, %convert_element_type3A_417 : vector<1x128xf32>
    %add3A_419 = arith.addi %add3A_367, %mul3A_412 : i32
    %ge3A_420 = vector.broadcast %add3A_419 : i32 to vector<1x128xi32>
    %ge3A_421 = arith.cmpi sge, %mul3A_110, %ge3A_420 : vector<1x128xi32>
    %convert_element_type3A_422 = arith.extui %ge3A_421 : vector<1x128xi1> to vector<1x128xi32>
    %add3A_423 = arith.addi %add3A_371, %convert_element_type3A_422 : vector<1x128xi32>
    %eq3A_424 = arith.constant 6 : i32
    %eq3A_425 = vector.broadcast %eq3A_424 : i32 to vector<1x128xi32>
    %eq3A_426 = arith.cmpi eq, %iota3A, %eq3A_425 : vector<1x128xi32>
    %jit3A_427 = arith.constant 0 : i32
    %broadcast_in_dim3A_428 = vector.broadcast %jit3A_427 : i32 to vector<1x128xi32>
    %select_n3A_429 = arith.select %eq3A_426, %convert_element_type3A_107, %broadcast_in_dim3A_428 : vector<1x128xi1>, vector<1x128xi32>
    %reduce_sum3A_430 = vector.shape_cast %select_n3A_429 : vector<1x128xi32> to vector<1x1x128xi32>
    %reduce_sum3A_431 = arith.constant dense<0> : vector<1xi32>
    %reduce_sum3A_432 = vector.multi_reduction <add>, %reduce_sum3A_430, %reduce_sum3A_431 [1, 2] : vector<1x1x128xi32> to vector<1xi32>
    %reduce_sum3A_433 = vector.shape_cast %reduce_sum3A_432 : vector<1xi32> to vector<1x1x1xi32>
    %reduce_sum3A_434 = vector.extract %reduce_sum3A_433[0, 0, 0] : i32 from vector<1x1x1xi32>
    %add3A_435 = arith.constant 256 : i32
    %add3A_436 = arith.addi %reduce_sum3A_434, %add3A_435 : i32
    %sub3A_437 = arith.constant 1 : i32
    %sub3A_438 = arith.subi %add3A_436, %sub3A_437 : i32
    %jit3A_439 = arith.constant 256 : i32
    %div3A_440 = arith.divsi %sub3A_438, %jit3A_439 : i32
    %sign3A_441 = arith.constant 0 : i32
    %sign3A_442 = arith.cmpi sgt, %sub3A_438, %sign3A_441 : i32
    %sign3A_443 = arith.extui %sign3A_442 : i1 to i32
    %sign3A_444 = arith.constant 0 : i32
    %sign3A_445 = arith.cmpi slt, %sub3A_438, %sign3A_444 : i32
    %sign3A_446 = arith.extui %sign3A_445 : i1 to i32
    %sign3A_447 = arith.subi %sign3A_443, %sign3A_446 : i32
    %sign3A_448 = arith.constant 0 : i32
    %sign3A_449 = arith.cmpi sgt, %jit3A_439, %sign3A_448 : i32
    %sign3A_450 = arith.extui %sign3A_449 : i1 to i32
    %sign3A_451 = arith.constant 0 : i32
    %sign3A_452 = arith.cmpi slt, %jit3A_439, %sign3A_451 : i32
    %sign3A_453 = arith.extui %sign3A_452 : i1 to i32
    %sign3A_454 = arith.subi %sign3A_450, %sign3A_453 : i32
    %ne3A_455 = arith.cmpi ne, %sign3A_447, %sign3A_454 : i32
    %rem3A_456 = arith.remsi %sub3A_438, %jit3A_439 : i32
    %ne3A_457 = arith.constant 0 : i32
    %ne3A_458 = arith.cmpi ne, %rem3A_456, %ne3A_457 : i32
    %and3A_459 = arith.andi %ne3A_455, %ne3A_458 : i1
    %sub3A_460 = arith.constant 1 : i32
    %sub3A_461 = arith.subi %div3A_440, %sub3A_460 : i32
    %select_n3A_462 = arith.select %and3A_459, %sub3A_461, %div3A_440 : i32
    %mul3A_463 = arith.constant 256 : i32
    %mul3A_464 = arith.muli %select_n3A_462, %mul3A_463 : i32
    %jit3A_465 = arith.constant 0 : i32
    %broadcast_in_dim3A_466 = vector.broadcast %add3A_419 : i32 to vector<1x128xi32>
    %broadcast_in_dim3A_467 = vector.broadcast %jit3A_465 : i32 to vector<1x128xi32>
    %select_n3A_468 = arith.select %eq3A_426, %broadcast_in_dim3A_466, %broadcast_in_dim3A_467 : vector<1x128xi1>, vector<1x128xi32>
    %convert_element_type3A_469 = arith.sitofp %select_n3A_468 : vector<1x128xi32> to vector<1x128xf32>
    %add3A_470 = arith.addf %add3A_418, %convert_element_type3A_469 : vector<1x128xf32>
    %add3A_471 = arith.addi %add3A_419, %mul3A_464 : i32
    %ge3A_472 = vector.broadcast %add3A_471 : i32 to vector<1x128xi32>
    %ge3A_473 = arith.cmpi sge, %mul3A_110, %ge3A_472 : vector<1x128xi32>
    %convert_element_type3A_474 = arith.extui %ge3A_473 : vector<1x128xi1> to vector<1x128xi32>
    %add3A_475 = arith.addi %add3A_423, %convert_element_type3A_474 : vector<1x128xi32>
    %eq3A_476 = arith.constant 7 : i32
    %eq3A_477 = vector.broadcast %eq3A_476 : i32 to vector<1x128xi32>
    %eq3A_478 = arith.cmpi eq, %iota3A, %eq3A_477 : vector<1x128xi32>
    %jit3A_479 = arith.constant 0 : i32
    %broadcast_in_dim3A_480 = vector.broadcast %jit3A_479 : i32 to vector<1x128xi32>
    %select_n3A_481 = arith.select %eq3A_478, %convert_element_type3A_107, %broadcast_in_dim3A_480 : vector<1x128xi1>, vector<1x128xi32>
    %reduce_sum3A_482 = vector.shape_cast %select_n3A_481 : vector<1x128xi32> to vector<1x1x128xi32>
    %reduce_sum3A_483 = arith.constant dense<0> : vector<1xi32>
    %reduce_sum3A_484 = vector.multi_reduction <add>, %reduce_sum3A_482, %reduce_sum3A_483 [1, 2] : vector<1x1x128xi32> to vector<1xi32>
    %reduce_sum3A_485 = vector.shape_cast %reduce_sum3A_484 : vector<1xi32> to vector<1x1x1xi32>
    %reduce_sum3A_486 = vector.extract %reduce_sum3A_485[0, 0, 0] : i32 from vector<1x1x1xi32>
    %add3A_487 = arith.constant 256 : i32
    %add3A_488 = arith.addi %reduce_sum3A_486, %add3A_487 : i32
    %sub3A_489 = arith.constant 1 : i32
    %sub3A_490 = arith.subi %add3A_488, %sub3A_489 : i32
    %jit3A_491 = arith.constant 256 : i32
    %div3A_492 = arith.divsi %sub3A_490, %jit3A_491 : i32
    %sign3A_493 = arith.constant 0 : i32
    %sign3A_494 = arith.cmpi sgt, %sub3A_490, %sign3A_493 : i32
    %sign3A_495 = arith.extui %sign3A_494 : i1 to i32
    %sign3A_496 = arith.constant 0 : i32
    %sign3A_497 = arith.cmpi slt, %sub3A_490, %sign3A_496 : i32
    %sign3A_498 = arith.extui %sign3A_497 : i1 to i32
    %sign3A_499 = arith.subi %sign3A_495, %sign3A_498 : i32
    %sign3A_500 = arith.constant 0 : i32
    %sign3A_501 = arith.cmpi sgt, %jit3A_491, %sign3A_500 : i32
    %sign3A_502 = arith.extui %sign3A_501 : i1 to i32
    %sign3A_503 = arith.constant 0 : i32
    %sign3A_504 = arith.cmpi slt, %jit3A_491, %sign3A_503 : i32
    %sign3A_505 = arith.extui %sign3A_504 : i1 to i32
    %sign3A_506 = arith.subi %sign3A_502, %sign3A_505 : i32
    %ne3A_507 = arith.cmpi ne, %sign3A_499, %sign3A_506 : i32
    %rem3A_508 = arith.remsi %sub3A_490, %jit3A_491 : i32
    %ne3A_509 = arith.constant 0 : i32
    %ne3A_510 = arith.cmpi ne, %rem3A_508, %ne3A_509 : i32
    %and3A_511 = arith.andi %ne3A_507, %ne3A_510 : i1
    %sub3A_512 = arith.constant 1 : i32
    %sub3A_513 = arith.subi %div3A_492, %sub3A_512 : i32
    %select_n3A_514 = arith.select %and3A_511, %sub3A_513, %div3A_492 : i32
    %mul3A_515 = arith.constant 256 : i32
    %mul3A_516 = arith.muli %select_n3A_514, %mul3A_515 : i32
    %jit3A_517 = arith.constant 0 : i32
    %broadcast_in_dim3A_518 = vector.broadcast %add3A_471 : i32 to vector<1x128xi32>
    %broadcast_in_dim3A_519 = vector.broadcast %jit3A_517 : i32 to vector<1x128xi32>
    %select_n3A_520 = arith.select %eq3A_478, %broadcast_in_dim3A_518, %broadcast_in_dim3A_519 : vector<1x128xi1>, vector<1x128xi32>
    %convert_element_type3A_521 = arith.sitofp %select_n3A_520 : vector<1x128xi32> to vector<1x128xf32>
    %add3A_522 = arith.addf %add3A_470, %convert_element_type3A_521 : vector<1x128xf32>
    %add3A_523 = arith.addi %add3A_471, %mul3A_516 : i32
    %ge3A_524 = vector.broadcast %add3A_523 : i32 to vector<1x128xi32>
    %ge3A_525 = arith.cmpi sge, %mul3A_110, %ge3A_524 : vector<1x128xi32>
    %convert_element_type3A_526 = arith.extui %ge3A_525 : vector<1x128xi1> to vector<1x128xi32>
    %add3A_527 = arith.addi %add3A_475, %convert_element_type3A_526 : vector<1x128xi32>
    %min3A = arith.constant 7 : i32
    %min3A_528 = vector.broadcast %min3A : i32 to vector<1x128xi32>
    %min3A_529 = arith.minsi %add3A_527, %min3A_528 : vector<1x128xi32>
    %swap3A_530 = arith.constant 0 : index
    %swap3A_531 = arith.constant 0 : index
    %swap3A_532 = vector.load %arg7[%swap3A_530, %swap3A_531] : memref<1x128xi32, #tpu.memory_space<vmem>>, vector<1x128xi32>
    tpu.vector_store %arg7[%swap3A_530, %swap3A_531], %min3A_529 {strides = array<i32>} : memref<1x128xi32, #tpu.memory_space<vmem>>, vector<1x128xi32>,
    %lt3A = vector.broadcast %add3A_523 : i32 to vector<1x128xi32>
    %lt3A_533 = arith.cmpi slt, %mul3A_110, %lt3A : vector<1x128xi32>
    %convert_element_type3A_534 = arith.extui %lt3A_533 : vector<1x128xi1> to vector<1x128xi32>
    %swap3A_535 = arith.constant 0 : index
    %swap3A_536 = arith.constant 0 : index
    %swap3A_537 = vector.load %arg8[%swap3A_535, %swap3A_536] : memref<1x128xi32, #tpu.memory_space<vmem>>, vector<1x128xi32>
    tpu.vector_store %arg8[%swap3A_535, %swap3A_536], %convert_element_type3A_534 {strides = array<i32>} : memref<1x128xi32, #tpu.memory_space<vmem>>, vector<1x128xi32>,
    %add3A_538 = vector.broadcast %add3A_522 : vector<1x128xf32> to vector<2048x128xf32>
    %add3A_539 = arith.addf %sub3A, %add3A_538 : vector<2048x128xf32>
    %mul3A_540 = arith.mulf %add3A_539, %convert_element_type3A_23 : vector<2048x128xf32>
    %reduce_sum3A_541 = arith.constant dense<0.000000e+00> : vector<2048xf32>
    %reduce_sum3A_542 = vector.multi_reduction <add>, %mul3A_540, %reduce_sum3A_541 [1] : vector<2048x128xf32> to vector<2048xf32>
    %broadcast_in_dim3A_543 = vector.shape_cast %reduce_sum3A_542 : vector<2048xf32> to vector<2048x1xf32>
    %convert_element_type3A_544 = arith.fptosi %broadcast_in_dim3A_543 : vector<2048x1xf32> to vector<2048x1xi32>
    %swap3A_545 = arith.constant 0 : index
    %swap3A_546 = arith.constant 0 : index
    %swap3A_547 = vector.load %arg3[%swap3A_545, %swap3A_546] : memref<2048x1xi32, #tpu.memory_space<vmem>>, vector<2048x1xi32>
    tpu.vector_store %arg3[%swap3A_545, %swap3A_546], %convert_element_type3A_544 {strides = array<i32>} : memref<2048x1xi32, #tpu.memory_space<vmem>>, vector<2048x1xi32>,
    %mul3A_548 = arith.mulf %add3A_539, %convert_element_type3A_25 : vector<2048x128xf32>
    %reduce_sum3A_549 = arith.constant dense<0.000000e+00> : vector<2048xf32>
    %reduce_sum3A_550 = vector.multi_reduction <add>, %mul3A_548, %reduce_sum3A_549 [1] : vector<2048x128xf32> to vector<2048xf32>
    %broadcast_in_dim3A_551 = vector.shape_cast %reduce_sum3A_550 : vector<2048xf32> to vector<2048x1xf32>
    %convert_element_type3A_552 = arith.fptosi %broadcast_in_dim3A_551 : vector<2048x1xf32> to vector<2048x1xi32>
    %swap3A_553 = arith.constant 0 : index
    %swap3A_554 = arith.constant 0 : index
    %swap3A_555 = vector.load %arg4[%swap3A_553, %swap3A_554] : memref<2048x1xi32, #tpu.memory_space<vmem>>, vector<2048x1xi32>
    tpu.vector_store %arg4[%swap3A_553, %swap3A_554], %convert_element_type3A_552 {strides = array<i32>} : memref<2048x1xi32, #tpu.memory_space<vmem>>, vector<2048x1xi32>,
    return
  }
}

module attributes {stable_mosaic.version = 14 : i64} {
  func.func @_gmm_body(%arg0: i32, %arg1: memref<128xi32, #tpu.memory_space<smem>>, %arg2: memref<128xi32, #tpu.memory_space<smem>>, %arg3: memref<256x1024xf32, #tpu.memory_space<vmem>>, %arg4: memref<1x1408x1024xf32, #tpu.memory_space<vmem>>, %arg5: memref<1x1024x704xf32, #tpu.memory_space<vmem>>, %arg6: memref<256x1024xf32, #tpu.memory_space<vmem>>) attributes {dimension_semantics = [#tpu.dimension_semantics<arbitrary>], iteration_bounds = array<i64: 24>, scalar_prefetch = 2 : i64, scratch_operands = 0 : i64, tpu.core_type = #tpu.core_type<tc>, window_params = [{transform_indices = @transform_0, window_bounds = array<i64: 256, 1024>}, {transform_indices = @transform_1, window_bounds = array<i64: 1, 1408, 1024>}, {transform_indices = @transform_2, window_bounds = array<i64: 1, 1024, 704>}, {transform_indices = @transform_3, window_bounds = array<i64: 256, 1024>}]} {
    %get3A = arith.index_cast %arg0 : i32 to index
    %get3A_0 = memref.load %arg2[%get3A] : memref<128xi32, #tpu.memory_space<smem>>
    %gt3A = arith.constant 0 : i32
    %gt3A_1 = arith.cmpi sgt, %get3A_0, %gt3A : i32
    %convert_element_type3A = arith.extui %gt3A_1 : i1 to i32
    %cond3A = arith.constant 0 : i32
    %cond3A_2 = arith.cmpi ne, %convert_element_type3A, %cond3A : i32
    scf.if %cond3A_2 {
      %get3A_3 = arith.constant 0 : index
      %get3A_4 = arith.constant 0 : index
      %get3A_5 = vector.load %arg3[%get3A_3, %get3A_4] : memref<256x1024xf32, #tpu.memory_space<vmem>>, vector<256x1024xf32>
      %convert_element_type3A_6 = arith.truncf %get3A_5 : vector<256x1024xf32> to vector<256x1024xbf16>
      %get3A_7 = arith.constant 0 : index
      %get3A_8 = arith.constant 0 : index
      %get3A_9 = arith.constant 0 : index
      %get3A_10 = vector.load %arg4[%get3A_7, %get3A_8, %get3A_9] : memref<1x1408x1024xf32, #tpu.memory_space<vmem>>, vector<1x1408x1024xf32>
      %get3A_11 = vector.shape_cast %get3A_10 : vector<1x1408x1024xf32> to vector<1408x1024xf32>
      %convert_element_type3A_12 = arith.truncf %get3A_11 : vector<1408x1024xf32> to vector<1408x1024xbf16>
      %dot_general3A = arith.constant dense<0.000000e+00> : vector<256x1408xf32>
      %dot_general3A_13 = tpu.matmul %convert_element_type3A_6, %convert_element_type3A_12, %dot_general3A {dimension_numbers = #tpu.dot_dimension_numbers<[1], [1], [0], [0], [0, 0, 1, 0], [], []>, transpose_lhs_hint = false} : vector<256x1024xbf16>, vector<1408x1024xbf16>, vector<256x1408xf32> -> vector<256x1408xf32>
      %slice3A = vector.extract_strided_slice %dot_general3A_13 {offsets = [0, 0], sizes = [256, 704], strides = [1, 1]} : vector<256x1408xf32> to vector<256x704xf32>
      %slice3A_14 = vector.extract_strided_slice %dot_general3A_13 {offsets = [0, 704], sizes = [256, 704], strides = [1, 1]} : vector<256x1408xf32> to vector<256x704xf32>
      %logistic3A = arith.negf %slice3A : vector<256x704xf32>
      %logistic3A_15 = math.exp %logistic3A : vector<256x704xf32>
      %logistic3A_16 = arith.constant 1.000000e+00 : f32
      %logistic3A_17 = vector.broadcast %logistic3A_16 : f32 to vector<256x704xf32>
      %logistic3A_18 = arith.addf %logistic3A_17, %logistic3A_15 : vector<256x704xf32>
      %logistic3A_19 = arith.divf %logistic3A_17, %logistic3A_18 : vector<256x704xf32>
      %mul3A = arith.mulf %slice3A, %logistic3A_19 : vector<256x704xf32>
      %mul3A_20 = arith.mulf %mul3A, %slice3A_14 : vector<256x704xf32>
      %convert_element_type3A_21 = arith.truncf %mul3A_20 : vector<256x704xf32> to vector<256x704xbf16>
      %get3A_22 = arith.constant 0 : index
      %get3A_23 = arith.constant 0 : index
      %get3A_24 = arith.constant 0 : index
      %get3A_25 = vector.load %arg5[%get3A_22, %get3A_23, %get3A_24] : memref<1x1024x704xf32, #tpu.memory_space<vmem>>, vector<1x1024x704xf32>
      %get3A_26 = vector.shape_cast %get3A_25 : vector<1x1024x704xf32> to vector<1024x704xf32>
      %convert_element_type3A_27 = arith.truncf %get3A_26 : vector<1024x704xf32> to vector<1024x704xbf16>
      %dot_general3A_28 = arith.constant dense<0.000000e+00> : vector<256x1024xf32>
      %dot_general3A_29 = tpu.matmul %convert_element_type3A_21, %convert_element_type3A_27, %dot_general3A_28 {dimension_numbers = #tpu.dot_dimension_numbers<[1], [1], [0], [0], [0, 0, 1, 0], [], []>, transpose_lhs_hint = false} : vector<256x704xbf16>, vector<1024x704xbf16>, vector<256x1024xf32> -> vector<256x1024xf32>
      %swap3A = arith.constant 0 : index
      %swap3A_30 = arith.constant 0 : index
      %swap3A_31 = vector.load %arg6[%swap3A, %swap3A_30] : memref<256x1024xf32, #tpu.memory_space<vmem>>, vector<256x1024xf32>
      tpu.vector_store %arg6[%swap3A, %swap3A_30], %dot_general3A_29 {strides = array<i32>} : memref<256x1024xf32, #tpu.memory_space<vmem>>, vector<256x1024xf32>,
    } else {
    }
    return
  }
  func.func @transform_0(%arg0: i32, %arg1: memref<128xi32, #tpu.memory_space<smem>>, %arg2: memref<128xi32, #tpu.memory_space<smem>>) -> (i32, i32) {
    %c0_i32 = arith.constant 0 : i32
    %c0_i32_0 = arith.constant 0 : i32
    return %arg0, %c0_i32 : i32, i32
  }
  func.func @transform_1(%arg0: i32, %arg1: memref<128xi32, #tpu.memory_space<smem>>, %arg2: memref<128xi32, #tpu.memory_space<smem>>) -> (i32, i32, i32) {
    %get3A = arith.index_cast %arg0 : i32 to index
    %get3A_0 = memref.load %arg1[%get3A] : memref<128xi32, #tpu.memory_space<smem>>
    %c0_i32 = arith.constant 0 : i32
    %c0_i32_1 = arith.constant 0 : i32
    %c0_i32_2 = arith.constant 0 : i32
    return %get3A_0, %c0_i32, %c0_i32_1 : i32, i32, i32
  }
  func.func @transform_2(%arg0: i32, %arg1: memref<128xi32, #tpu.memory_space<smem>>, %arg2: memref<128xi32, #tpu.memory_space<smem>>) -> (i32, i32, i32) {
    %get3A = arith.index_cast %arg0 : i32 to index
    %get3A_0 = memref.load %arg1[%get3A] : memref<128xi32, #tpu.memory_space<smem>>
    %c0_i32 = arith.constant 0 : i32
    %c0_i32_1 = arith.constant 0 : i32
    %c0_i32_2 = arith.constant 0 : i32
    return %get3A_0, %c0_i32, %c0_i32_1 : i32, i32, i32
  }
  func.func @transform_3(%arg0: i32, %arg1: memref<128xi32, #tpu.memory_space<smem>>, %arg2: memref<128xi32, #tpu.memory_space<smem>>) -> (i32, i32) {
    %c0_i32 = arith.constant 0 : i32
    %c0_i32_0 = arith.constant 0 : i32
    return %arg0, %c0_i32 : i32, i32
  }
}

module attributes {stable_mosaic.version = 14 : i64} {
  func.func @_combine_body(%arg0: i32, %arg1: memref<512x1024xf32, #tpu.memory_space<vmem>>, %arg2: memref<512x1024xf32, #tpu.memory_space<vmem>>, %arg3: memref<512x1xf32, #tpu.memory_space<vmem>>, %arg4: memref<512x1xf32, #tpu.memory_space<vmem>>, %arg5: memref<512x1024xf32, #tpu.memory_space<vmem>>, %arg6: memref<2816x1024xf32, #tpu.memory_space<vmem>>, %arg7: memref<1024x1408xf32, #tpu.memory_space<vmem>>, %arg8: memref<512x1024xf32, #tpu.memory_space<vmem>>) attributes {dimension_semantics = [#tpu.dimension_semantics<arbitrary>], iteration_bounds = array<i64: 4>, scalar_prefetch = 0 : i64, scratch_operands = 0 : i64, tpu.core_type = #tpu.core_type<tc>, window_params = [{transform_indices = @transform_0, window_bounds = array<i64: 512, 1024>}, {transform_indices = @transform_1, window_bounds = array<i64: 512, 1024>}, {transform_indices = @transform_2, window_bounds = array<i64: 512, 1>}, {transform_indices = @transform_3, window_bounds = array<i64: 512, 1>}, {transform_indices = @transform_4, window_bounds = array<i64: 512, 1024>}, {pipeline_mode = #tpu.pipeline_mode<synchronous>, transform_indices = @transform_5, window_bounds = array<i64: 2816, 1024>}, {pipeline_mode = #tpu.pipeline_mode<synchronous>, transform_indices = @transform_6, window_bounds = array<i64: 1024, 1408>}, {transform_indices = @transform_7, window_bounds = array<i64: 512, 1024>}]} {
    %get3A = arith.constant 0 : index
    %get3A_0 = arith.constant 0 : index
    %get3A_1 = vector.load %arg5[%get3A, %get3A_0] : memref<512x1024xf32, #tpu.memory_space<vmem>>, vector<512x1024xf32>
    %convert_element_type3A = arith.truncf %get3A_1 : vector<512x1024xf32> to vector<512x1024xbf16>
    %get3A_2 = arith.constant 0 : index
    %get3A_3 = arith.constant 0 : index
    %get3A_4 = vector.load %arg6[%get3A_2, %get3A_3] : memref<2816x1024xf32, #tpu.memory_space<vmem>>, vector<2816x1024xf32>
    %convert_element_type3A_5 = arith.truncf %get3A_4 : vector<2816x1024xf32> to vector<2816x1024xbf16>
    %dot_general3A = arith.constant dense<0.000000e+00> : vector<512x2816xf32>
    %dot_general3A_6 = tpu.matmul %convert_element_type3A, %convert_element_type3A_5, %dot_general3A {dimension_numbers = #tpu.dot_dimension_numbers<[1], [1], [0], [0], [0, 0, 1, 0], [], []>, transpose_lhs_hint = false} : vector<512x1024xbf16>, vector<2816x1024xbf16>, vector<512x2816xf32> -> vector<512x2816xf32>
    %slice3A = vector.extract_strided_slice %dot_general3A_6 {offsets = [0, 0], sizes = [512, 1408], strides = [1, 1]} : vector<512x2816xf32> to vector<512x1408xf32>
    %slice3A_7 = vector.extract_strided_slice %dot_general3A_6 {offsets = [0, 1408], sizes = [512, 1408], strides = [1, 1]} : vector<512x2816xf32> to vector<512x1408xf32>
    %logistic3A = arith.negf %slice3A : vector<512x1408xf32>
    %logistic3A_8 = math.exp %logistic3A : vector<512x1408xf32>
    %logistic3A_9 = arith.constant 1.000000e+00 : f32
    %logistic3A_10 = vector.broadcast %logistic3A_9 : f32 to vector<512x1408xf32>
    %logistic3A_11 = arith.addf %logistic3A_10, %logistic3A_8 : vector<512x1408xf32>
    %logistic3A_12 = arith.divf %logistic3A_10, %logistic3A_11 : vector<512x1408xf32>
    %mul3A = arith.mulf %slice3A, %logistic3A_12 : vector<512x1408xf32>
    %mul3A_13 = arith.mulf %mul3A, %slice3A_7 : vector<512x1408xf32>
    %convert_element_type3A_14 = arith.truncf %mul3A_13 : vector<512x1408xf32> to vector<512x1408xbf16>
    %get3A_15 = arith.constant 0 : index
    %get3A_16 = arith.constant 0 : index
    %get3A_17 = vector.load %arg7[%get3A_15, %get3A_16] : memref<1024x1408xf32, #tpu.memory_space<vmem>>, vector<1024x1408xf32>
    %convert_element_type3A_18 = arith.truncf %get3A_17 : vector<1024x1408xf32> to vector<1024x1408xbf16>
    %dot_general3A_19 = arith.constant dense<0.000000e+00> : vector<512x1024xf32>
    %dot_general3A_20 = tpu.matmul %convert_element_type3A_14, %convert_element_type3A_18, %dot_general3A_19 {dimension_numbers = #tpu.dot_dimension_numbers<[1], [1], [0], [0], [0, 0, 1, 0], [], []>, transpose_lhs_hint = false} : vector<512x1408xbf16>, vector<1024x1408xbf16>, vector<512x1024xf32> -> vector<512x1024xf32>
    %get3A_21 = arith.constant 0 : index
    %get3A_22 = arith.constant 0 : index
    %get3A_23 = vector.load %arg3[%get3A_21, %get3A_22] : memref<512x1xf32, #tpu.memory_space<vmem>>, vector<512x1xf32>
    %get3A_24 = arith.constant 0 : index
    %get3A_25 = arith.constant 0 : index
    %get3A_26 = vector.load %arg1[%get3A_24, %get3A_25] : memref<512x1024xf32, #tpu.memory_space<vmem>>, vector<512x1024xf32>
    %mul3A_27 = vector.broadcast %get3A_23 : vector<512x1xf32> to vector<512x1024xf32>
    %mul3A_28 = arith.mulf %mul3A_27, %get3A_26 : vector<512x1024xf32>
    %get3A_29 = arith.constant 0 : index
    %get3A_30 = arith.constant 0 : index
    %get3A_31 = vector.load %arg4[%get3A_29, %get3A_30] : memref<512x1xf32, #tpu.memory_space<vmem>>, vector<512x1xf32>
    %get3A_32 = arith.constant 0 : index
    %get3A_33 = arith.constant 0 : index
    %get3A_34 = vector.load %arg2[%get3A_32, %get3A_33] : memref<512x1024xf32, #tpu.memory_space<vmem>>, vector<512x1024xf32>
    %mul3A_35 = vector.broadcast %get3A_31 : vector<512x1xf32> to vector<512x1024xf32>
    %mul3A_36 = arith.mulf %mul3A_35, %get3A_34 : vector<512x1024xf32>
    %add3A = arith.addf %mul3A_28, %mul3A_36 : vector<512x1024xf32>
    %add3A_37 = arith.addf %add3A, %dot_general3A_20 : vector<512x1024xf32>
    %swap3A = arith.constant 0 : index
    %swap3A_38 = arith.constant 0 : index
    %swap3A_39 = vector.load %arg8[%swap3A, %swap3A_38] : memref<512x1024xf32, #tpu.memory_space<vmem>>, vector<512x1024xf32>
    tpu.vector_store %arg8[%swap3A, %swap3A_38], %add3A_37 {strides = array<i32>} : memref<512x1024xf32, #tpu.memory_space<vmem>>, vector<512x1024xf32>,
    return
  }
  func.func @transform_0(%arg0: i32) -> (i32, i32) {
    %c0_i32 = arith.constant 0 : i32
    %c0_i32_0 = arith.constant 0 : i32
    return %arg0, %c0_i32 : i32, i32
  }
  func.func @transform_1(%arg0: i32) -> (i32, i32) {
    %c0_i32 = arith.constant 0 : i32
    %c0_i32_0 = arith.constant 0 : i32
    return %arg0, %c0_i32 : i32, i32
  }
  func.func @transform_2(%arg0: i32) -> (i32, i32) {
    %c0_i32 = arith.constant 0 : i32
    %c0_i32_0 = arith.constant 0 : i32
    return %arg0, %c0_i32 : i32, i32
  }
  func.func @transform_3(%arg0: i32) -> (i32, i32) {
    %c0_i32 = arith.constant 0 : i32
    %c0_i32_0 = arith.constant 0 : i32
    return %arg0, %c0_i32 : i32, i32
  }
  func.func @transform_4(%arg0: i32) -> (i32, i32) {
    %c0_i32 = arith.constant 0 : i32
    %c0_i32_0 = arith.constant 0 : i32
    return %arg0, %c0_i32 : i32, i32
  }
  func.func @transform_5(%arg0: i32) -> (i32, i32) {
    %c0_i32 = arith.constant 0 : i32
    %c0_i32_0 = arith.constant 0 : i32
    %c0_i32_1 = arith.constant 0 : i32
    return %c0_i32, %c0_i32_0 : i32, i32
  }
  func.func @transform_6(%arg0: i32) -> (i32, i32) {
    %c0_i32 = arith.constant 0 : i32
    %c0_i32_0 = arith.constant 0 : i32
    %c0_i32_1 = arith.constant 0 : i32
    return %c0_i32, %c0_i32_0 : i32, i32
  }
  func.func @transform_7(%arg0: i32) -> (i32, i32) {
    %c0_i32 = arith.constant 0 : i32
    %c0_i32_0 = arith.constant 0 : i32
    return %arg0, %c0_i32 : i32, i32
  }
}

</mosaic_0001>

<sc_bundles>
// kernel: kernel.10.cloned.1.call-start
scs
__scs_entry_jumppad:
0x0: {  	(pc) =	sbr.rel $0x88, $3  }
0x1: {  	(tag) =	ssettag $0x0;
	lr =	simm.s32 $0x1  }
0x2: {  	[smem:$0x3F9A] =	sst lr;
	_ =	strace $0xD0000000  }
0x3: {  	_ = 	snop  }
0x4: {  	_ = 	snop  }
0x5: {  	_ = 	snop  }
0x6: {  	_ = 	snop  }
0x7: {  	_ = 	snop  }
__scs_overlays_trampoline_lowered:
0x8: {  	[smem:$0x3FA9] =	sst s0  }
0x9: {  	[smem:$0x3FAA] =	sst s1  }
0xa: {  	[smem:$0x3FAB] =	sst s2  }
0xb: {  	[smem:$0x3FAC] =	sst s3  }
0xc: {  	[smem:$0x3FAD] =	sst s4  }
0xd: {  	[smem:$0x3FAE] =	sst s5  }
0xe: {  	[smem:$0x3FAF] =	sst s6  }
0xf: {  	[smem:$0x3FB0] =	sst s7  }
0x10: {  	[smem:$0x3FB1] =	sst s8  }
0x11: {  	[smem:$0x3FB2] =	sst s9;
	s0 =	simm.s32 @!p0 $0x0  }
0x12: {  	s1 =	sld [smem:$0x3F98];
	s0 =	simm.s32 @p0 $0x1  }
0x13: {  	[smem:$0x3FB3] =	sst s0;
	s0 =	simm.s32 @!p1 $0x0  }
0x14: {  	s2 =	sld [smem:$0x3F97];
	s0 =	simm.s32 @p1 $0x1  }
0x15: {  	[smem:$0x3FB4] =	sst s0;
	s0 =	simm.s32 @!p2 $0x0  }
0x16: {  	s3 =	sld [smem:$0x3FDB];
	s0 =	simm.s32 @p2 $0x1  }
0x17: {  	s4 =	simm.s32 $0x1BF5;
	[smem:$0x3FB6] =	sst s0  }
0x18: {  	s0 =	sld [smem:$0x3F99];
	_ =	swait.ge [sflag:s4], $0x0  }
0x19: {  	s7 =	sld [smem:$0x3F9A]  }
0x1a: {  	s8 =	sadd.s32 $0xFFFFE003, lr  }
0x1b: {  	s9 =	sadd.s32 $0xFFFFFEF7, lr;
	s5 =	simm.s32 $0xFFFFFFFF;
	p2 =	slt.u32 s8, $0xFFFFF086  }
0x1c: {  	p1 =	slt.u32 s9, $0xF7A;
	s5 =	simm.s32 @!p2 $0x0  }
0x1d: {  	s5 =	simm.s32 @p1 $0x1;
	p0 =	seq.s32 s7, s2  }
0x1e: {  	s7 =	smul.u32 @!p0 $0xF7A, s2;
	p2 =	seq.s32 @!p0 s5, $0x0  }
0x1f: {  	s9 =	smul.u32 $0xF7A, s1;
	s8 =	simm.s32 @!p0 $0x1BF5;
	p2 =	por !p2, p0  }
0x20: {  	[sflag:s8] =	ssyncset.s32 @!p0 $0xFFFFF086;
	s6 =	sadd.s32 @!p0 s3, s7;
	s7 =	simm.s32 @!p0 $0x108  }
0x21: {  	s3 =	sadd.s32 s3, s9;
	s6 =	sadd.s32 @!p0 $0x88, s6;
	s7 =	simm.s32 @p2 $0x1082  }
0x22: {  	[simem:s7], [sflag:s8] =	dma.local @!p0 [hbm:s6], $0xF7A  }
0x23: {  	s9 =	sor.u32 $0xD0000000, s2;
	s6 =	simm.s32 $0x108;
	_ =	swait.ge @!p0 [sflag:s8], $0x0  }
0x24: {  	s3 =	sadd.s32 $0x88, s3;
	s6 =	simm.s32 @!p1 $0x1082;
	[sflag:s4] =	ssyncset.s32 $0xFFFFF086  }
0x25: {  	[simem:s6], [sflag:s4] =	dma.local [hbm:s3], $0xF7A  }
0x26: {  	[smem:$0x3F9A] =	sst s1;
	(tag) =	ssettag s2;
	_ =	strace s9  }
0x27: {  	s1 =	sld [smem:$0x3FAA]  }
0x28: {  	s2 =	sld [smem:$0x3FAB]  }
0x29: {  	s4 =	sld [smem:$0x3FAD]  }
0x2a: {  	p0 =	seq.s32 s5, $0x0;
	s5 =	sld [smem:$0x3FAE]  }
0x2b: {  	s6 =	sld [smem:$0x3FAF]  }
0x2c: {  	s7 =	sld [smem:$0x3FB0]  }
0x2d: {  	s3 =	simm.s32 $0x108;
	s8 =	sld [smem:$0x3FB1]  }
0x2e: {  	s3 =	simm.s32 @!p0 $0x1082;
	s9 =	sld [smem:$0x3FB2]  }
0x2f: {  	lr =	sadd.s32 s0, s3;
	s0 =	sld [smem:$0x3FA9]  }
0x30: {  	s3 =	sld [smem:$0x3FAC]  }
0x31: {  	[smem:$0x3FB5] =	sst s10  }
0x32: {  	s10 =	sld [smem:$0x3FB3];
	_ =	sdelay $0x3  }
0x33: {  	p0 =	seq.s32 s10, $0x1;
	s10 =	sld [smem:$0x3FB5];
	_ =	sdelay $0x3  }
0x34: {  	[smem:$0x3FB5] =	sst s10  }
0x35: {  	s10 =	sld [smem:$0x3FB4];
	_ =	sdelay $0x3  }
0x36: {  	p1 =	seq.s32 s10, $0x1;
	s10 =	sld [smem:$0x3FB5];
	_ =	sdelay $0x3  }
0x37: {  	[smem:$0x3FB5] =	sst s10  }
0x38: {  	s10 =	sld [smem:$0x3FB6]  }
0x39: {  	_ = 	snop;
	(pc) =	sbr.ind lr, $3  }
0x3a: {  	_ = 	snop  }
0x3b: {  	_ = 	snop  }
0x3c: {  	p2 =	seq.s32 s10, $0x1;
	s10 =	sld [smem:$0x3FB5]  }
0x3d: {  	_ =	shalt  }
0x3e: {  	_ =	shalt  }
0x3f: {  	_ =	shalt  }
0x40: {  	_ =	shalt  }
0x41: {  	_ =	shalt  }
0x42: {  	_ =	shalt  }
0x43: {  	_ =	shalt  }
0x44: {  	_ =	shalt  }
0x45: {  	_ =	shalt  }
0x46: {  	_ =	shalt  }
0x47: {  	_ =	shalt  }
0x48: {  	_ =	shalt  }
0x49: {  	_ =	shalt  }
0x4a: {  	_ =	shalt  }
0x4b: {  	_ =	shalt  }
0x4c: {  	_ =	shalt  }
0x4d: {  	_ =	shalt  }
0x4e: {  	_ =	shalt  }
0x4f: {  	_ =	shalt  }
0x50: {  	_ =	shalt  }
0x51: {  	_ =	shalt  }
0x52: {  	_ =	shalt  }
0x53: {  	_ =	shalt  }
0x54: {  	_ =	shalt  }
0x55: {  	_ =	shalt  }
0x56: {  	_ =	shalt  }
0x57: {  	_ =	shalt  }
0x58: {  	_ =	shalt  }
0x59: {  	_ =	shalt  }
0x5a: {  	_ =	shalt  }
0x5b: {  	_ =	shalt  }
0x5c: {  	_ =	shalt  }
0x5d: {  	_ =	shalt  }
0x5e: {  	_ =	shalt  }
0x5f: {  	_ =	shalt  }
0x60: {  	_ =	shalt  }
0x61: {  	_ =	shalt  }
0x62: {  	_ =	shalt  }
0x63: {  	_ =	shalt  }
0x64: {  	_ =	shalt  }
0x65: {  	_ =	shalt  }
0x66: {  	_ =	shalt  }
0x67: {  	_ =	shalt  }
0x68: {  	_ =	shalt  }
0x69: {  	_ =	shalt  }
0x6a: {  	_ =	shalt  }
0x6b: {  	_ =	shalt  }
0x6c: {  	_ =	shalt  }
0x6d: {  	_ =	shalt  }
0x6e: {  	_ =	shalt  }
0x6f: {  	_ =	shalt  }
0x70: {  	_ =	shalt  }
0x71: {  	_ =	shalt  }
0x72: {  	_ =	shalt  }
0x73: {  	_ =	shalt  }
0x74: {  	_ =	shalt  }
0x75: {  	_ =	shalt  }
0x76: {  	_ =	shalt  }
0x77: {  	_ =	shalt  }
0x78: {  	_ =	shalt  }
0x79: {  	_ =	shalt  }
0x7a: {  	_ =	shalt  }
0x7b: {  	_ =	shalt  }
0x7c: {  	_ =	shalt  }
0x7d: {  	_ =	shalt  }
0x7e: {  	_ =	shalt  }
0x7f: {  	_ =	shalt  }
0x80: {  	_ =	shalt  }
0x81: {  	_ =	shalt  }
0x82: {  	_ =	shalt  }
0x83: {  	_ =	shalt  }
0x84: {  	_ =	shalt  }
0x85: {  	_ =	shalt  }
0x86: {  	_ =	shalt  }
0x87: {  	_ =	shalt  }
.Lfunc_end0:
.L_simem_size_0:
called_computation.1_lowered:
.L_overlay_start_0:
0x88: {  	s2 =	sld [smem:$0x3FD9]  }
0x89: {  	s3 =	sld [smem:$0x3FFE];
	_ =	sdelay $0x1  }
0x8a: {  	s1 =	srdreg.scid  }
0x8b: {  	s0 =	sand.u32 $0x1, s1  }
0x8c: {  	s17 =	sshll.u32 s0, $0xA;
	s2 =	sadd.s32 s3, s2  }
0x8d: {  	s2 =	sadd.s32 s2, s17  }
0x8e: {  	[smem:$0x3FC1] =	sst s2  }
0x8f: {  	_ = 	snop  }
0x90: {  	s2 =	sld [smem:$0x3FD0];
	(tm) =	ssettm $0x1  }
0x91: {  	s18 =	sld [smem:$0x3FFB];
	_ =	sdelay $0x3  }
0x92: {  	_ =	strace s18  }
0x93: {  	s3 =	sld [smem:$0x3FFC];
	_ =	sdelay $0x3  }
0x94: {  	_ =	strace s3  }
0x95: {  	s3 =	sld [smem:$0x3FFD];
	_ =	sdelay $0x3  }
0x96: {  	_ =	strace s3  }
0x97: {  	_ =	strace $0x8FFFFFFF  }
0x98: {  	s19 =	sld [smem:$0x3FDB];
	_ =	sdelay $0x1  }
0x99: {  	s4 =	simm.s32 $_scs_section_size  }
0x9a: {  	s5 =	simm.s32 $_size__tile_overlayer_lowered;
	s6 =	simm.s32 $_tile_overlayer_lowered  }
0x9b: {  	s22 =	simm.s32 $0x1BFF;
	s21 =	sshll.u32 s6, $0x1;
	s3 =	sadd.s32 s4, s19  }
0x9c: {  	s7 =	simm.s32 $0x0;
	s20 =	sshll.u32 s5, $0x1;
	s5 =	sadd.s32 s21, s3  }
0x9d: {  	[timem:s7], [sflag:s22] =	dma.local [hbm:s5], s20  }
0x9e: {  	_ =	swait.ge [sflag:s22], s20  }
0x9f: {  	s4 =	ssub.s32 $0x0, s20;
	[sflag:s22] =	ssyncset.done $0x0  }
0xa0: {  	[sflag:s22] =	ssyncadd.s32 s4;
	_ =	sdelay $0x1  }
0xa1: {  	s23 =	simm.s32 $0x1B8B  }
0xa2: {  	_ =	swait.ge [sflag:s23], $0x1  }
0xa3: {  	[sflag:s23] =	ssyncset.done $0x0  }
0xa4: {  	s25 =	simm.s32 $0x1B8E;
	s24 =	sld [smem:$0x3FFE];
	[sflag:s23] =	ssyncadd.s32 $0xFFFFFFFF  }
0xa5: {  	s26 =	simm.s32 $execute0_lowered;
	[smem:$0x3FD2] =	sst s25  }
0xa6: {  	s5 =	sshll.u32 s26, $0x1;
	_ =	strace $0x80000049;
	[dreg:$0x1] =	wrdreg $0xFFFFFFFF  }
0xa7: {  	s28 =	simm.s32 $_size_execute0_lowered;
	s3 =	sadd.s32 s3, s5;
	[dreg:$0x0] =	wrdreg $0x0  }
0xa8: {  	s5 =	sshll.u32 s28, $0x1;
	[dreg:$0x2] =	wrdreg s3  }
0xa9: {  	[dreg:$0x3] =	wrdreg s5  }
0xaa: {  	[dreg:$0x4] =	wrdreg $0xC0  }
0xab: {  	_ =	task [dreg:s7], $0x5FFFF  }
0xac: {  	[dreg:$0x1] =	wrdreg $0xFFFFFFFF  }
0xad: {  	[dreg:$0x0] =	wrdreg $0x60  }
0xae: {  	[dreg:$0x2] =	wrdreg s24  }
0xaf: {  	[dreg:$0x3] =	wrdreg s2  }
0xb0: {  	[dreg:$0x4] =	wrdreg $0x9  }
0xb1: {  	_ =	task.clear_ibuf [dreg:s7], $0x5FFFF;
	_ =	strace $0x90000049  }
0xb2: {  	s29 =	simm.s32 $0x9;
	_ =	strace $0x8000004B  }
0xb3: {  	_ =	swait.ge [sflag:s29], $0x1  }
0xb4: {  	[sflag:s29] =	ssyncadd.s32 $0xFFFFFFFF  }
0xb5: {  	_ =	strace $0x9000004B  }
0xb6: {  	_ =	sfence  }
0xb7: {  	s30 =	sld [smem:$0x0];
	_ =	sdelay $0x2  }
0xb8: {  	s31 =	sshll.u32 s1, $0xD;
	s1 =	sshrl.u32 s1, $0x2  }
0xb9: {  	s3 =	sand.u32 $0x4000, s31;
	s1 =	sadd.s32 s1, s30  }
0xba: {  	s0 =	sor.u32 s3, s0;
	s1 =	sshll.u32 s1, $0x11  }
0xbb: {  	s0 =	sor.u32 s1, s0  }
0xbc: {  	s0 =	sadd.s32 $0x8F2B, s0  }
0xbd: {  	[sflag:s0] =	ssyncadd.remote.s32 $0x1  }
0xbe: {  	_ =	sfence.sel $0xFFFF  }
0xbf: {  	[dreg:$0x0] =	wrdreg $0xFFFFFFFF;
	(pc) =	sbr.abs _section_cstart, $3  }
0xc0: {  	[dreg:$0x1] =	wrdreg $0xFFFFFFFF  }
0xc1: {  	_ =	task.clear_ibuf [dreg:s7], $0x2FFFF;
	_ =	strace $0x9FFFFFFF  }
0xc2: {  	(tm) =	ssettm $0x7FFFFFFF  }
0xc3: {  	_ =	shalt  }
tec
execute0_lowered:
.L_overlay_start_1:
0x0: {  	(tag) =	ssettag $0x1  }
0x1: {  	s0 =	rddreg [dreg:$0x0]  }
0x2: {  	s1 =	rddreg [dreg:$0x1]  }
0x3: {  	s2 =	srdreg.scid;
	s3 =	stileid.u32  }
0x4: {  	s26 =	simm.s32 $0x80;
	s18 =	simm.s32 $0x1;
	s21 =	simm.s32 $0x1100  }
0x5: {  	s22 =	simm.s32 $0x1900;
	s23 =	simm.s32 $0x2100;
	s28 =	simm.s32 $0x4100  }
0x6: {  	s29 =	simm.s32 $0x4900;
	s30 =	simm.s32 $0x5100;
	s31 =	simm.s32 $0x5900  }
0x7: {  	s10 =	simm.s32 $0x7100;
	s11 =	simm.s32 $0x7900;
	s12 =	simm.s32 $0x8100  }
0x8: {  	s13 =	simm.s32 $0x8900;
	s14 =	simm.s32 $0x9100;
	s15 =	simm.s32 $0x9900  }
0x9: {  	s16 =	simm.s32 $0xA100;
	s17 =	simm.s32 $0xA900;
	s4 =	sand.u32 $0x1, s2  }
0xa: {  	s2 =	simm.s32 $0x0;
	s3 =	sshll.u32 s3, $0x7;
	s5 =	sshll.u32 s4, $0x6  }
0xb: {  	[smem:$0x7FF] =	sst s2;
	s4 =	ssub.s32 $0x2, s4;
	s5 =	sor.u32 s5, s3  }
0xc: {  	_ =	strace $0x8000004A;
	s3 =	sadd.s32 $0x182600, s0;
	s8 =	sshrl.u32 s4, $0x1  }
0xd: {  	[dreg:$0x7] =	wrdreg s26;
	s26 =	simm.s32 $0x3900;
	s6 =	sshrl.u32 s5, $0x3  }
0xe: {  	s5 =	sshll.u32 s5, $0x7;
	s8 =	ssub.s32 s4, s8;
	s4 =	sadd.s32 $0x182700, s0  }
0xf: {  	s6 =	sadd.s32 s6, s0;
	s7 =	sadd.s32 s5, s0;
	s1 =	sadd.s32 s1, s5  }
0x10: {  	s5 =	sadd.s32 $0x182800, s0;
	s9 =	sadd.s32 $0x2200, s6;
	[dreg:$0x5] =	wrdreg s1  }
0x11: {  	s24 =	sadd.s32 $0x2400, s6;
	s25 =	sadd.s32 $0x2600, s7;
	[dreg:$0x3] =	wrdreg s9  }
0x12: {  	v2 =	vlaneseq.u32;
	s6 =	sadd.s32 $0x182900, s0;
	s7 =	smax.u32 s8, $0x1;
	[dreg:$0x4] =	wrdreg s24  }
0x13: {  	vm0 =	vmmov $0xffff;
	v1 =	vshrl.u32 v2, $0x3;
	s8 =	simm.s32 $0x2;
	s0 =	simm.s32 $0x100;
	[dreg:$0x6] =	wrdreg s25  }
0x14: {  	v0 =	vand.u32 $0x7, v2;
	v2 =	vor.u32 $0x8, v2;
	v1 =	vmul.u32 $0x8, v1;
	s24 =	simm.s32 $0x2900;
	s25 =	simm.s32 $0x3100;
	s9 =	simm.s32 $0xB100  }
.LBB2_1:
0x15: {  	s19 =	rddreg [dreg:$0x3]  }
0x16: {  	[tilespmem:s2], [sflag:$0x2] =	stream.linear.gather [hbm4b:s19+s2], $0x40, $0x38;
	[tilespmem:$0x10100] =	vst v63  }
0x17: {  	_ =	swait.ge [sflag:s8], $0x40  }
0x18: {  	s1 =	rddreg [dreg:$0x4];
	[sflag:s8] =	ssyncset.done $0x0  }
0x19: {  	s20 =	rddreg [dreg:$0x7];
	[sflag:s8] =	ssyncadd.s32 $0xFFFFFFC0  }
0x1a: {  	[tilespmem:s20], [sflag:$0x2] =	stream.linear.gather [hbm4b:s1+s2], $0x40, $0x38;
	[tilespmem:$0x10100] =	vst v63  }
0x1b: {  	_ =	swait.ge [sflag:s8], $0x40  }
0x1c: {  	[sflag:s8] =	ssyncset.done $0x0  }
0x1d: {  	[sflag:s8] =	ssyncadd.s32 $0xFFFFFFC0  }
0x1e: {  	v3 =	vld [tilespmem:$0x0];
	_ =	sdelay $0x4  }
0x1f: {  	v4 =	vshll.u32 v3, $0x3  }
0x20: {  	v3 =	vand.u32 $0x7, v3;
	v4 =	vand.u32 $0xFFFFFFC0, v4  }
0x21: {  	v3 =	vor.u32 v3, v4  }
0x22: {  	v4 =	vperm.xlane v3, v0;
	_ =	sdelay $0x1  }
0x23: {  	v4 =	vadd.s32 v1, v4;
	_ =	sdelay $0x4  }
0x24: {  	[tilespmem:s0], [sflag:$0x1] =	stream.indirect_vreg.gather [hbm4b:s3+s2], $0x80, v4, vm0, $0xb8;
	[tilespmem:$0x10100] =	vst v63  }
0x25: {  	s20 =	simm.s32 $0x900;
	v3 =	vperm.xlane v3, v2  }
0x26: {  	[tilespmem:s20], [sflag:$0x1] =	stream.indirect_vreg.gather [hbm4b:s4+s2], $0x80, v4, vm0, $0xb8;
	[tilespmem:$0x10100] =	vst v63  }
0x27: {  	v3 =	vadd.s32 v1, v3  }
0x28: {  	[tilespmem:s21], [sflag:$0x1] =	stream.indirect_vreg.gather [hbm4b:s5+s2], $0x80, v4, vm0, $0xb8;
	[tilespmem:$0x10100] =	vst v63  }
0x29: {  	_ = 	snop  }
0x2a: {  	[tilespmem:s22], [sflag:$0x1] =	stream.indirect_vreg.gather [hbm4b:s6+s2], $0x80, v4, vm0, $0xb8;
	[tilespmem:$0x10100] =	vst v63  }
0x2b: {  	_ = 	snop  }
0x2c: {  	[tilespmem:s23], [sflag:$0x1] =	stream.indirect_vreg.gather [hbm4b:s3+s2], $0x80, v3, vm0, $0xb8;
	[tilespmem:$0x10100] =	vst v63  }
0x2d: {  	_ = 	snop  }
0x2e: {  	[tilespmem:s24], [sflag:$0x1] =	stream.indirect_vreg.gather [hbm4b:s4+s2], $0x80, v3, vm0, $0xb8;
	[tilespmem:$0x10100] =	vst v63  }
0x2f: {  	_ = 	snop  }
0x30: {  	[tilespmem:s25], [sflag:$0x1] =	stream.indirect_vreg.gather [hbm4b:s5+s2], $0x80, v3, vm0, $0xb8;
	[tilespmem:$0x10100] =	vst v63  }
0x31: {  	_ = 	snop  }
0x32: {  	[tilespmem:s26], [sflag:$0x1] =	stream.indirect_vreg.gather [hbm4b:s6+s2], $0x80, v3, vm0, $0xb8;
	[tilespmem:$0x10100] =	vst v63  }
0x33: {  	v3 =	vld [tilespmem:$0x10];
	_ =	sdelay $0x4  }
0x34: {  	v57 =	vshll.u32 v3, $0x3  }
0x35: {  	v3 =	vand.u32 $0x7, v3;
	v4 =	vand.u32 $0xFFFFFFC0, v57  }
0x36: {  	v3 =	vor.u32 v3, v4  }
0x37: {  	v4 =	vperm.xlane v3, v0;
	_ =	sdelay $0x1  }
0x38: {  	v4 =	vadd.s32 v1, v4;
	_ =	sdelay $0x4  }
0x39: {  	[tilespmem:s28], [sflag:$0x1] =	stream.indirect_vreg.gather [hbm4b:s3+s2], $0x80, v4, vm0, $0xb8;
	[tilespmem:$0x10100] =	vst v63  }
0x3a: {  	v3 =	vperm.xlane v3, v2  }
0x3b: {  	[tilespmem:s29], [sflag:$0x1] =	stream.indirect_vreg.gather [hbm4b:s4+s2], $0x80, v4, vm0, $0xb8;
	[tilespmem:$0x10100] =	vst v63  }
0x3c: {  	v3 =	vadd.s32 v1, v3  }
0x3d: {  	[tilespmem:s30], [sflag:$0x1] =	stream.indirect_vreg.gather [hbm4b:s5+s2], $0x80, v4, vm0, $0xb8;
	[tilespmem:$0x10100] =	vst v63  }
0x3e: {  	_ = 	snop  }
0x3f: {  	[tilespmem:s31], [sflag:$0x1] =	stream.indirect_vreg.gather [hbm4b:s6+s2], $0x80, v4, vm0, $0xb8;
	[tilespmem:$0x10100] =	vst v63  }
0x40: {  	s1 =	simm.s32 $0x6100  }
0x41: {  	[tilespmem:s1], [sflag:$0x1] =	stream.indirect_vreg.gather [hbm4b:s3+s2], $0x80, v3, vm0, $0xb8;
	[tilespmem:$0x10100] =	vst v63  }
0x42: {  	s1 =	simm.s32 $0x6900  }
0x43: {  	[tilespmem:s1], [sflag:$0x1] =	stream.indirect_vreg.gather [hbm4b:s4+s2], $0x80, v3, vm0, $0xb8;
	[tilespmem:$0x10100] =	vst v63  }
0x44: {  	_ = 	snop  }
0x45: {  	[tilespmem:s10], [sflag:$0x1] =	stream.indirect_vreg.gather [hbm4b:s5+s2], $0x80, v3, vm0, $0xb8;
	[tilespmem:$0x10100] =	vst v63  }
0x46: {  	_ = 	snop  }
0x47: {  	[tilespmem:s11], [sflag:$0x1] =	stream.indirect_vreg.gather [hbm4b:s6+s2], $0x80, v3, vm0, $0xb8;
	[tilespmem:$0x10100] =	vst v63  }
0x48: {  	v3 =	vld [tilespmem:$0x20];
	_ =	sdelay $0x4  }
0x49: {  	v58 =	vshll.u32 v3, $0x3  }
0x4a: {  	v3 =	vand.u32 $0x7, v3;
	v4 =	vand.u32 $0xFFFFFFC0, v58  }
0x4b: {  	v3 =	vor.u32 v3, v4  }
0x4c: {  	v4 =	vperm.xlane v3, v0;
	_ =	sdelay $0x1  }
0x4d: {  	v4 =	vadd.s32 v1, v4;
	_ =	sdelay $0x4  }
0x4e: {  	[tilespmem:s12], [sflag:$0x1] =	stream.indirect_vreg.gather [hbm4b:s3+s2], $0x80, v4, vm0, $0xb8;
	[tilespmem:$0x10100] =	vst v63  }
0x4f: {  	v3 =	vperm.xlane v3, v2  }
0x50: {  	[tilespmem:s13], [sflag:$0x1] =	stream.indirect_vreg.gather [hbm4b:s4+s2], $0x80, v4, vm0, $0xb8;
	[tilespmem:$0x10100] =	vst v63  }
0x51: {  	v3 =	vadd.s32 v1, v3  }
0x52: {  	[tilespmem:s14], [sflag:$0x1] =	stream.indirect_vreg.gather [hbm4b:s5+s2], $0x80, v4, vm0, $0xb8;
	[tilespmem:$0x10100] =	vst v63  }
0x53: {  	_ = 	snop  }
0x54: {  	[tilespmem:s15], [sflag:$0x1] =	stream.indirect_vreg.gather [hbm4b:s6+s2], $0x80, v4, vm0, $0xb8;
	[tilespmem:$0x10100] =	vst v63  }
0x55: {  	_ = 	snop  }
0x56: {  	[tilespmem:s16], [sflag:$0x1] =	stream.indirect_vreg.gather [hbm4b:s3+s2], $0x80, v3, vm0, $0xb8;
	[tilespmem:$0x10100] =	vst v63  }
0x57: {  	_ = 	snop  }
0x58: {  	[tilespmem:s17], [sflag:$0x1] =	stream.indirect_vreg.gather [hbm4b:s4+s2], $0x80, v3, vm0, $0xb8;
	[tilespmem:$0x10100] =	vst v63  }
0x59: {  	_ = 	snop  }
0x5a: {  	[tilespmem:s9], [sflag:$0x1] =	stream.indirect_vreg.gather [hbm4b:s5+s2], $0x80, v3, vm0, $0xb8;
	[tilespmem:$0x10100] =	vst v63  }
0x5b: {  	s19 =	simm.s32 $0xB900  }
0x5c: {  	[tilespmem:s19], [sflag:$0x1] =	stream.indirect_vreg.gather [hbm4b:s6+s2], $0x80, v3, vm0, $0xb8;
	[tilespmem:$0x10100] =	vst v63  }
0x5d: {  	v3 =	vld [tilespmem:$0x30];
	_ =	sdelay $0x4  }
0x5e: {  	v59 =	vshll.u32 v3, $0x3  }
0x5f: {  	v3 =	vand.u32 $0x7, v3;
	v4 =	vand.u32 $0xFFFFFFC0, v59  }
0x60: {  	v3 =	vor.u32 v3, v4  }
0x61: {  	v4 =	vperm.xlane v3, v0;
	_ =	sdelay $0x1  }
0x62: {  	v4 =	vadd.s32 v1, v4;
	_ =	sdelay $0x3  }
0x63: {  	s19 =	simm.s32 $0xC100  }
0x64: {  	[tilespmem:s19], [sflag:$0x1] =	stream.indirect_vreg.gather [hbm4b:s3+s2], $0x80, v4, vm0, $0xb8;
	[tilespmem:$0x10100] =	vst v63  }
0x65: {  	v3 =	vperm.xlane v3, v2;
	s19 =	simm.s32 $0xC900  }
0x66: {  	[tilespmem:s19], [sflag:$0x1] =	stream.indirect_vreg.gather [hbm4b:s4+s2], $0x80, v4, vm0, $0xb8;
	[tilespmem:$0x10100] =	vst v63  }
0x67: {  	v3 =	vadd.s32 v1, v3;
	s19 =	simm.s32 $0xD100  }
0x68: {  	[tilespmem:s19], [sflag:$0x1] =	stream.indirect_vreg.gather [hbm4b:s5+s2], $0x80, v4, vm0, $0xb8;
	[tilespmem:$0x10100] =	vst v63  }
0x69: {  	s19 =	simm.s32 $0xD900  }
0x6a: {  	[tilespmem:s19], [sflag:$0x1] =	stream.indirect_vreg.gather [hbm4b:s6+s2], $0x80, v4, vm0, $0xb8;
	[tilespmem:$0x10100] =	vst v63  }
0x6b: {  	s19 =	simm.s32 $0xE100  }
0x6c: {  	[tilespmem:s19], [sflag:$0x1] =	stream.indirect_vreg.gather [hbm4b:s3+s2], $0x80, v3, vm0, $0xb8;
	[tilespmem:$0x10100] =	vst v63  }
0x6d: {  	s19 =	simm.s32 $0xE900  }
0x6e: {  	[tilespmem:s19], [sflag:$0x1] =	stream.indirect_vreg.gather [hbm4b:s4+s2], $0x80, v3, vm0, $0xb8;
	[tilespmem:$0x10100] =	vst v63  }
0x6f: {  	s19 =	simm.s32 $0xF100  }
0x70: {  	[tilespmem:s19], [sflag:$0x1] =	stream.indirect_vreg.gather [hbm4b:s5+s2], $0x80, v3, vm0, $0xb8;
	[tilespmem:$0x10100] =	vst v63  }
0x71: {  	s19 =	simm.s32 $0xF900  }
0x72: {  	[tilespmem:s19], [sflag:$0x1] =	stream.indirect_vreg.gather [hbm4b:s6+s2], $0x80, v3, vm0, $0xb8;
	[tilespmem:$0x10100] =	vst v63  }
0x73: {  	_ =	swait.ge [sflag:s18], $0x10000  }
0x74: {  	[sflag:s18] =	ssyncset.done $0x0  }
0x75: {  	s19 =	rddreg [dreg:$0x5];
	[sflag:s18] =	ssyncadd.s32 $0xFFFF0000  }
0x76: {  	[hbm4b:s19+s2] =	stream.linear.scatter [tilespmem:s0], [sflag:$0x2], $0x10000, $0x38;
	[tilespmem:$0x10100] =	vst v63  }
0x77: {  	_ =	swait.ge [sflag:s8], $0x10000  }
0x78: {  	[sflag:s8] =	ssyncset.done $0x0  }
0x79: {  	[sflag:s8] =	ssyncadd.s32 $0xFFFF0000  }
0x7a: {  	v3 =	vld [tilespmem:$0x80];
	_ =	sdelay $0x4  }
0x7b: {  	v60 =	vshll.u32 v3, $0x3  }
0x7c: {  	v3 =	vand.u32 $0x7, v3;
	v4 =	vand.u32 $0xFFFFFFC0, v60  }
0x7d: {  	v3 =	vor.u32 v3, v4  }
0x7e: {  	v4 =	vperm.xlane v3, v0;
	_ =	sdelay $0x1  }
0x7f: {  	v4 =	vadd.s32 v1, v4;
	_ =	sdelay $0x4  }
0x80: {  	[tilespmem:s0], [sflag:$0x1] =	stream.indirect_vreg.gather [hbm4b:s3+s2], $0x80, v4, vm0, $0xb8;
	[tilespmem:$0x10100] =	vst v63  }
0x81: {  	v3 =	vperm.xlane v3, v2  }
0x82: {  	[tilespmem:s20], [sflag:$0x1] =	stream.indirect_vreg.gather [hbm4b:s4+s2], $0x80, v4, vm0, $0xb8;
	[tilespmem:$0x10100] =	vst v63  }
0x83: {  	v3 =	vadd.s32 v1, v3  }
0x84: {  	[tilespmem:s21], [sflag:$0x1] =	stream.indirect_vreg.gather [hbm4b:s5+s2], $0x80, v4, vm0, $0xb8;
	[tilespmem:$0x10100] =	vst v63  }
0x85: {  	_ = 	snop  }
0x86: {  	[tilespmem:s22], [sflag:$0x1] =	stream.indirect_vreg.gather [hbm4b:s6+s2], $0x80, v4, vm0, $0xb8;
	[tilespmem:$0x10100] =	vst v63  }
0x87: {  	_ = 	snop  }
0x88: {  	[tilespmem:s23], [sflag:$0x1] =	stream.indirect_vreg.gather [hbm4b:s3+s2], $0x80, v3, vm0, $0xb8;
	[tilespmem:$0x10100] =	vst v63  }
0x89: {  	_ = 	snop  }
0x8a: {  	[tilespmem:s24], [sflag:$0x1] =	stream.indirect_vreg.gather [hbm4b:s4+s2], $0x80, v3, vm0, $0xb8;
	[tilespmem:$0x10100] =	vst v63  }
0x8b: {  	_ = 	snop  }
0x8c: {  	[tilespmem:s25], [sflag:$0x1] =	stream.indirect_vreg.gather [hbm4b:s5+s2], $0x80, v3, vm0, $0xb8;
	[tilespmem:$0x10100] =	vst v63  }
0x8d: {  	_ = 	snop  }
0x8e: {  	[tilespmem:s26], [sflag:$0x1] =	stream.indirect_vreg.gather [hbm4b:s6+s2], $0x80, v3, vm0, $0xb8;
	[tilespmem:$0x10100] =	vst v63  }
0x8f: {  	v3 =	vld [tilespmem:$0x90];
	_ =	sdelay $0x4  }
0x90: {  	v61 =	vshll.u32 v3, $0x3  }
0x91: {  	v3 =	vand.u32 $0x7, v3;
	v4 =	vand.u32 $0xFFFFFFC0, v61  }
0x92: {  	v3 =	vor.u32 v3, v4  }
0x93: {  	v4 =	vperm.xlane v3, v0;
	_ =	sdelay $0x1  }
0x94: {  	v4 =	vadd.s32 v1, v4;
	_ =	sdelay $0x4  }
0x95: {  	[tilespmem:s28], [sflag:$0x1] =	stream.indirect_vreg.gather [hbm4b:s3+s2], $0x80, v4, vm0, $0xb8;
	[tilespmem:$0x10100] =	vst v63  }
0x96: {  	v3 =	vperm.xlane v3, v2  }
0x97: {  	[tilespmem:s29], [sflag:$0x1] =	stream.indirect_vreg.gather [hbm4b:s4+s2], $0x80, v4, vm0, $0xb8;
	[tilespmem:$0x10100] =	vst v63  }
0x98: {  	v3 =	vadd.s32 v1, v3  }
0x99: {  	[tilespmem:s30], [sflag:$0x1] =	stream.indirect_vreg.gather [hbm4b:s5+s2], $0x80, v4, vm0, $0xb8;
	[tilespmem:$0x10100] =	vst v63  }
0x9a: {  	_ = 	snop  }
0x9b: {  	[tilespmem:s31], [sflag:$0x1] =	stream.indirect_vreg.gather [hbm4b:s6+s2], $0x80, v4, vm0, $0xb8;
	[tilespmem:$0x10100] =	vst v63  }
0x9c: {  	s20 =	simm.s32 $0x6100  }
0x9d: {  	[tilespmem:s20], [sflag:$0x1] =	stream.indirect_vreg.gather [hbm4b:s3+s2], $0x80, v3, vm0, $0xb8;
	[tilespmem:$0x10100] =	vst v63  }
0x9e: {  	_ = 	snop  }
0x9f: {  	[tilespmem:s1], [sflag:$0x1] =	stream.indirect_vreg.gather [hbm4b:s4+s2], $0x80, v3, vm0, $0xb8;
	[tilespmem:$0x10100] =	vst v63  }
0xa0: {  	_ = 	snop  }
0xa1: {  	[tilespmem:s10], [sflag:$0x1] =	stream.indirect_vreg.gather [hbm4b:s5+s2], $0x80, v3, vm0, $0xb8;
	[tilespmem:$0x10100] =	vst v63  }
0xa2: {  	_ = 	snop  }
0xa3: {  	[tilespmem:s11], [sflag:$0x1] =	stream.indirect_vreg.gather [hbm4b:s6+s2], $0x80, v3, vm0, $0xb8;
	[tilespmem:$0x10100] =	vst v63  }
0xa4: {  	v3 =	vld [tilespmem:$0xA0];
	_ =	sdelay $0x4  }
0xa5: {  	v62 =	vshll.u32 v3, $0x3  }
0xa6: {  	v3 =	vand.u32 $0x7, v3;
	v4 =	vand.u32 $0xFFFFFFC0, v62  }
0xa7: {  	v3 =	vor.u32 v3, v4  }
0xa8: {  	v4 =	vperm.xlane v3, v0;
	_ =	sdelay $0x1  }
0xa9: {  	v4 =	vadd.s32 v1, v4;
	_ =	sdelay $0x4  }
0xaa: {  	[tilespmem:s12], [sflag:$0x1] =	stream.indirect_vreg.gather [hbm4b:s3+s2], $0x80, v4, vm0, $0xb8;
	[tilespmem:$0x10100] =	vst v63  }
0xab: {  	v3 =	vperm.xlane v3, v2  }
0xac: {  	[tilespmem:s13], [sflag:$0x1] =	stream.indirect_vreg.gather [hbm4b:s4+s2], $0x80, v4, vm0, $0xb8;
	[tilespmem:$0x10100] =	vst v63  }
0xad: {  	v3 =	vadd.s32 v1, v3  }
0xae: {  	[tilespmem:s14], [sflag:$0x1] =	stream.indirect_vreg.gather [hbm4b:s5+s2], $0x80, v4, vm0, $0xb8;
	[tilespmem:$0x10100] =	vst v63  }
0xaf: {  	_ = 	snop  }
0xb0: {  	[tilespmem:s15], [sflag:$0x1] =	stream.indirect_vreg.gather [hbm4b:s6+s2], $0x80, v4, vm0, $0xb8;
	[tilespmem:$0x10100] =	vst v63  }
0xb1: {  	_ = 	snop  }
0xb2: {  	[tilespmem:s16], [sflag:$0x1] =	stream.indirect_vreg.gather [hbm4b:s3+s2], $0x80, v3, vm0, $0xb8;
	[tilespmem:$0x10100] =	vst v63  }
0xb3: {  	_ = 	snop  }
0xb4: {  	[tilespmem:s17], [sflag:$0x1] =	stream.indirect_vreg.gather [hbm4b:s4+s2], $0x80, v3, vm0, $0xb8;
	[tilespmem:$0x10100] =	vst v63  }
0xb5: {  	_ = 	snop  }
0xb6: {  	[tilespmem:s9], [sflag:$0x1] =	stream.indirect_vreg.gather [hbm4b:s5+s2], $0x80, v3, vm0, $0xb8;
	[tilespmem:$0x10100] =	vst v63  }
0xb7: {  	s19 =	simm.s32 $0xB900  }
0xb8: {  	[tilespmem:s19], [sflag:$0x1] =	stream.indirect_vreg.gather [hbm4b:s6+s2], $0x80, v3, vm0, $0xb8;
	[tilespmem:$0x10100] =	vst v63  }
0xb9: {  	v3 =	vld [tilespmem:$0xB0];
	_ =	sdelay $0x4  }
0xba: {  	v63 =	vshll.u32 v3, $0x3  }
0xbb: {  	v3 =	vand.u32 $0x7, v3;
	v4 =	vand.u32 $0xFFFFFFC0, v63  }
0xbc: {  	v3 =	vor.u32 v3, v4  }
0xbd: {  	v4 =	vperm.xlane v3, v0;
	_ =	sdelay $0x1  }
0xbe: {  	v4 =	vadd.s32 v1, v4;
	_ =	sdelay $0x3  }
0xbf: {  	s20 =	simm.s32 $0xC100  }
0xc0: {  	[tilespmem:s20], [sflag:$0x1] =	stream.indirect_vreg.gather [hbm4b:s3+s2], $0x80, v4, vm0, $0xb8;
	[tilespmem:$0x10100] =	vst v63  }
0xc1: {  	s19 =	simm.s32 $0xC900;
	v3 =	vperm.xlane v3, v2  }
0xc2: {  	[tilespmem:s19], [sflag:$0x1] =	stream.indirect_vreg.gather [hbm4b:s4+s2], $0x80, v4, vm0, $0xb8;
	[tilespmem:$0x10100] =	vst v63  }
0xc3: {  	v3 =	vadd.s32 v1, v3;
	s20 =	simm.s32 $0xD100  }
0xc4: {  	[tilespmem:s20], [sflag:$0x1] =	stream.indirect_vreg.gather [hbm4b:s5+s2], $0x80, v4, vm0, $0xb8;
	[tilespmem:$0x10100] =	vst v63  }
0xc5: {  	s19 =	simm.s32 $0xD900  }
0xc6: {  	[tilespmem:s19], [sflag:$0x1] =	stream.indirect_vreg.gather [hbm4b:s6+s2], $0x80, v4, vm0, $0xb8;
	[tilespmem:$0x10100] =	vst v63  }
0xc7: {  	s20 =	simm.s32 $0xE100  }
0xc8: {  	[tilespmem:s20], [sflag:$0x1] =	stream.indirect_vreg.gather [hbm4b:s3+s2], $0x80, v3, vm0, $0xb8;
	[tilespmem:$0x10100] =	vst v63  }
0xc9: {  	s19 =	simm.s32 $0xE900  }
0xca: {  	[tilespmem:s19], [sflag:$0x1] =	stream.indirect_vreg.gather [hbm4b:s4+s2], $0x80, v3, vm0, $0xb8;
	[tilespmem:$0x10100] =	vst v63  }
0xcb: {  	s20 =	simm.s32 $0xF100  }
0xcc: {  	[tilespmem:s20], [sflag:$0x1] =	stream.indirect_vreg.gather [hbm4b:s5+s2], $0x80, v3, vm0, $0xb8;
	[tilespmem:$0x10100] =	vst v63  }
0xcd: {  	s19 =	simm.s32 $0xF900  }
0xce: {  	[tilespmem:s19], [sflag:$0x1] =	stream.indirect_vreg.gather [hbm4b:s6+s2], $0x80, v3, vm0, $0xb8;
	[tilespmem:$0x10100] =	vst v63  }
0xcf: {  	_ =	swait.ge [sflag:s18], $0x10000  }
0xd0: {  	p0 =	sne.s32 s7, $0x1;
	[sflag:s18] =	ssyncset.done $0x0  }
.Ltmp0:
0xd1: {  	s20 =	rddreg [dreg:$0x6];
	[sflag:s18] =	ssyncadd.s32 $0xFFFF0000;
	(pc) =	sbr.rel @p0 .LBB2_1-.Ltmp0, $4  }
0xd2: {  	[hbm4b:s20+s2] =	stream.linear.scatter [tilespmem:s0], [sflag:$0x2], $0x10000, $0x38;
	[tilespmem:$0x10100] =	vst v63  }
0xd3: {  	_ =	swait.ge [sflag:s8], $0x10000  }
0xd4: {  	[sflag:s8] =	ssyncset.done $0x0  }
0xd5: {  	s7 =	sadd.s32 $0xFFFFFFFF, s7;
	[sflag:s8] =	ssyncadd.s32 $0xFFFF0000  }
0xd6: {  	_ =	sfence.sel $0x180000  }
0xd7: {  	[bflag:$0x0] =	sbarrier.arrive $0xFFFF  }
0xd8: {  	_ =	strace $0x9000004A  }
0xd9: {  	s0 =	stileid.u32;
	[bflag:$0x2] =	sbarrier.arrive $0xFFFF  }
0xda: {  	p0 =	sne.s32 s0, $0x0;
	s0 =	rddreg [dreg:$0x2]  }
0xdb: {  	s0 =	sadd.s32 @!p0 $0x100000, s0  }
0xdc: {  	[sflag:s0] =	ssyncadd.tile.s32 @!p0 $0x1;
	_ =	shalt  }
.Lfunc_end2:
_tile_overlayer_lowered:
.L_overlay_start_2:
0xdd: {  	(tag) =	ssettag $0x2  }
0xde: {  	s0 =	rddreg [dreg:$0x0];
	s2 =	stileid.u32  }
0xdf: {  	s1 =	rddreg [dreg:$0x1];
	p0 =	sne.s32 s2, $0x0  }
0xe0: {  	s3 =	rddreg [dreg:$0x2];
	[bflag:$0x3] =	sbarrier.arrive $0xFFFF;
	s2 =	simm.s32 @!p0 $0x1C02  }
0xe1: {  	[timem:s3], [sflag:s2] =	dma.local @!p0 [hbm:s0], s1  }
0xe2: {  	s0 =	simm.s32 @!p0 $0x2  }
0xe3: {  	_ =	swait.ge @!p0 [sflag:s0], s1  }
0xe4: {  	s1 =	ssub.s32 @!p0 $0x0, s1;
	[sflag:s0] =	ssyncset.done @!p0 $0x0  }
0xe5: {  	[sflag:s0] =	ssyncadd.s32 @!p0 s1  }
0xe6: {  	[bflag:$0x3] =	sbarrier.arrive $0xFFFF  }
0xe7: {  	_ =	shalt  }

// kernel: kernel.7.cloned.1.call-start
scs
__scs_entry_jumppad:
0x0: {  	(pc) =	sbr.rel $0x88, $3  }
0x1: {  	(tag) =	ssettag $0x0;
	lr =	simm.s32 $0x1  }
0x2: {  	[smem:$0x3F9A] =	sst lr;
	_ =	strace $0xD0000000  }
0x3: {  	_ = 	snop  }
0x4: {  	_ = 	snop  }
0x5: {  	_ = 	snop  }
0x6: {  	_ = 	snop  }
0x7: {  	_ = 	snop  }
__scs_overlays_trampoline_lowered:
0x8: {  	[smem:$0x3FA9] =	sst s0  }
0x9: {  	[smem:$0x3FAA] =	sst s1  }
0xa: {  	[smem:$0x3FAB] =	sst s2  }
0xb: {  	[smem:$0x3FAC] =	sst s3  }
0xc: {  	[smem:$0x3FAD] =	sst s4  }
0xd: {  	[smem:$0x3FAE] =	sst s5  }
0xe: {  	[smem:$0x3FAF] =	sst s6  }
0xf: {  	[smem:$0x3FB0] =	sst s7  }
0x10: {  	[smem:$0x3FB1] =	sst s8  }
0x11: {  	[smem:$0x3FB2] =	sst s9;
	s0 =	simm.s32 @!p0 $0x0  }
0x12: {  	s1 =	sld [smem:$0x3F98];
	s0 =	simm.s32 @p0 $0x1  }
0x13: {  	[smem:$0x3FB3] =	sst s0;
	s0 =	simm.s32 @!p1 $0x0  }
0x14: {  	s2 =	sld [smem:$0x3F97];
	s0 =	simm.s32 @p1 $0x1  }
0x15: {  	[smem:$0x3FB4] =	sst s0;
	s0 =	simm.s32 @!p2 $0x0  }
0x16: {  	s3 =	sld [smem:$0x3FDB];
	s0 =	simm.s32 @p2 $0x1  }
0x17: {  	s4 =	simm.s32 $0x1BF5;
	[smem:$0x3FB6] =	sst s0  }
0x18: {  	s0 =	sld [smem:$0x3F99];
	_ =	swait.ge [sflag:s4], $0x0  }
0x19: {  	s7 =	sld [smem:$0x3F9A]  }
0x1a: {  	s8 =	sadd.s32 $0xFFFFE003, lr  }
0x1b: {  	s9 =	sadd.s32 $0xFFFFFEF7, lr;
	s5 =	simm.s32 $0xFFFFFFFF;
	p2 =	slt.u32 s8, $0xFFFFF086  }
0x1c: {  	p1 =	slt.u32 s9, $0xF7A;
	s5 =	simm.s32 @!p2 $0x0  }
0x1d: {  	s5 =	simm.s32 @p1 $0x1;
	p0 =	seq.s32 s7, s2  }
0x1e: {  	s7 =	smul.u32 @!p0 $0xF7A, s2;
	p2 =	seq.s32 @!p0 s5, $0x0  }
0x1f: {  	s9 =	smul.u32 $0xF7A, s1;
	s8 =	simm.s32 @!p0 $0x1BF5;
	p2 =	por !p2, p0  }
0x20: {  	[sflag:s8] =	ssyncset.s32 @!p0 $0xFFFFF086;
	s6 =	sadd.s32 @!p0 s3, s7;
	s7 =	simm.s32 @!p0 $0x108  }
0x21: {  	s3 =	sadd.s32 s3, s9;
	s6 =	sadd.s32 @!p0 $0x88, s6;
	s7 =	simm.s32 @p2 $0x1082  }
0x22: {  	[simem:s7], [sflag:s8] =	dma.local @!p0 [hbm:s6], $0xF7A  }
0x23: {  	s9 =	sor.u32 $0xD0000000, s2;
	s6 =	simm.s32 $0x108;
	_ =	swait.ge @!p0 [sflag:s8], $0x0  }
0x24: {  	s3 =	sadd.s32 $0x88, s3;
	s6 =	simm.s32 @!p1 $0x1082;
	[sflag:s4] =	ssyncset.s32 $0xFFFFF086  }
0x25: {  	[simem:s6], [sflag:s4] =	dma.local [hbm:s3], $0xF7A  }
0x26: {  	[smem:$0x3F9A] =	sst s1;
	(tag) =	ssettag s2;
	_ =	strace s9  }
0x27: {  	s1 =	sld [smem:$0x3FAA]  }
0x28: {  	s2 =	sld [smem:$0x3FAB]  }
0x29: {  	s4 =	sld [smem:$0x3FAD]  }
0x2a: {  	p0 =	seq.s32 s5, $0x0;
	s5 =	sld [smem:$0x3FAE]  }
0x2b: {  	s6 =	sld [smem:$0x3FAF]  }
0x2c: {  	s7 =	sld [smem:$0x3FB0]  }
0x2d: {  	s3 =	simm.s32 $0x108;
	s8 =	sld [smem:$0x3FB1]  }
0x2e: {  	s3 =	simm.s32 @!p0 $0x1082;
	s9 =	sld [smem:$0x3FB2]  }
0x2f: {  	lr =	sadd.s32 s0, s3;
	s0 =	sld [smem:$0x3FA9]  }
0x30: {  	s3 =	sld [smem:$0x3FAC]  }
0x31: {  	[smem:$0x3FB5] =	sst s10  }
0x32: {  	s10 =	sld [smem:$0x3FB3];
	_ =	sdelay $0x3  }
0x33: {  	p0 =	seq.s32 s10, $0x1;
	s10 =	sld [smem:$0x3FB5];
	_ =	sdelay $0x3  }
0x34: {  	[smem:$0x3FB5] =	sst s10  }
0x35: {  	s10 =	sld [smem:$0x3FB4];
	_ =	sdelay $0x3  }
0x36: {  	p1 =	seq.s32 s10, $0x1;
	s10 =	sld [smem:$0x3FB5];
	_ =	sdelay $0x3  }
0x37: {  	[smem:$0x3FB5] =	sst s10  }
0x38: {  	s10 =	sld [smem:$0x3FB6]  }
0x39: {  	_ = 	snop;
	(pc) =	sbr.ind lr, $3  }
0x3a: {  	_ = 	snop  }
0x3b: {  	_ = 	snop  }
0x3c: {  	p2 =	seq.s32 s10, $0x1;
	s10 =	sld [smem:$0x3FB5]  }
0x3d: {  	_ =	shalt  }
0x3e: {  	_ =	shalt  }
0x3f: {  	_ =	shalt  }
0x40: {  	_ =	shalt  }
0x41: {  	_ =	shalt  }
0x42: {  	_ =	shalt  }
0x43: {  	_ =	shalt  }
0x44: {  	_ =	shalt  }
0x45: {  	_ =	shalt  }
0x46: {  	_ =	shalt  }
0x47: {  	_ =	shalt  }
0x48: {  	_ =	shalt  }
0x49: {  	_ =	shalt  }
0x4a: {  	_ =	shalt  }
0x4b: {  	_ =	shalt  }
0x4c: {  	_ =	shalt  }
0x4d: {  	_ =	shalt  }
0x4e: {  	_ =	shalt  }
0x4f: {  	_ =	shalt  }
0x50: {  	_ =	shalt  }
0x51: {  	_ =	shalt  }
0x52: {  	_ =	shalt  }
0x53: {  	_ =	shalt  }
0x54: {  	_ =	shalt  }
0x55: {  	_ =	shalt  }
0x56: {  	_ =	shalt  }
0x57: {  	_ =	shalt  }
0x58: {  	_ =	shalt  }
0x59: {  	_ =	shalt  }
0x5a: {  	_ =	shalt  }
0x5b: {  	_ =	shalt  }
0x5c: {  	_ =	shalt  }
0x5d: {  	_ =	shalt  }
0x5e: {  	_ =	shalt  }
0x5f: {  	_ =	shalt  }
0x60: {  	_ =	shalt  }
0x61: {  	_ =	shalt  }
0x62: {  	_ =	shalt  }
0x63: {  	_ =	shalt  }
0x64: {  	_ =	shalt  }
0x65: {  	_ =	shalt  }
0x66: {  	_ =	shalt  }
0x67: {  	_ =	shalt  }
0x68: {  	_ =	shalt  }
0x69: {  	_ =	shalt  }
0x6a: {  	_ =	shalt  }
0x6b: {  	_ =	shalt  }
0x6c: {  	_ =	shalt  }
0x6d: {  	_ =	shalt  }
0x6e: {  	_ =	shalt  }
0x6f: {  	_ =	shalt  }
0x70: {  	_ =	shalt  }
0x71: {  	_ =	shalt  }
0x72: {  	_ =	shalt  }
0x73: {  	_ =	shalt  }
0x74: {  	_ =	shalt  }
0x75: {  	_ =	shalt  }
0x76: {  	_ =	shalt  }
0x77: {  	_ =	shalt  }
0x78: {  	_ =	shalt  }
0x79: {  	_ =	shalt  }
0x7a: {  	_ =	shalt  }
0x7b: {  	_ =	shalt  }
0x7c: {  	_ =	shalt  }
0x7d: {  	_ =	shalt  }
0x7e: {  	_ =	shalt  }
0x7f: {  	_ =	shalt  }
0x80: {  	_ =	shalt  }
0x81: {  	_ =	shalt  }
0x82: {  	_ =	shalt  }
0x83: {  	_ =	shalt  }
0x84: {  	_ =	shalt  }
0x85: {  	_ =	shalt  }
0x86: {  	_ =	shalt  }
0x87: {  	_ =	shalt  }
.Lfunc_end0:
.L_simem_size_0:
called_computation_lowered:
.L_overlay_start_0:
0x88: {  	s2 =	sld [smem:$0x3FD9]  }
0x89: {  	s3 =	sld [smem:$0x3FFE];
	_ =	sdelay $0x1  }
0x8a: {  	s1 =	srdreg.scid  }
0x8b: {  	s0 =	sand.u32 $0x1, s1  }
0x8c: {  	s17 =	sshll.u32 s0, $0xA;
	s2 =	sadd.s32 s3, s2  }
0x8d: {  	s2 =	sadd.s32 s2, s17  }
0x8e: {  	[smem:$0x3FC1] =	sst s2  }
0x8f: {  	_ = 	snop  }
0x90: {  	s2 =	sld [smem:$0x3FC9];
	(tm) =	ssettm $0x1  }
0x91: {  	s18 =	sld [smem:$0x3FFB];
	_ =	sdelay $0x3  }
0x92: {  	_ =	strace s18  }
0x93: {  	s3 =	sld [smem:$0x3FFC];
	_ =	sdelay $0x3  }
0x94: {  	_ =	strace s3  }
0x95: {  	s3 =	sld [smem:$0x3FFD];
	_ =	sdelay $0x3  }
0x96: {  	_ =	strace s3  }
0x97: {  	_ =	strace $0x8FFFFFFF  }
0x98: {  	s19 =	sld [smem:$0x3FDB];
	_ =	sdelay $0x1  }
0x99: {  	s4 =	simm.s32 $_scs_section_size  }
0x9a: {  	s5 =	simm.s32 $_size__tile_overlayer_lowered;
	s6 =	simm.s32 $_tile_overlayer_lowered  }
0x9b: {  	s22 =	simm.s32 $0x1BFF;
	s21 =	sshll.u32 s6, $0x1;
	s3 =	sadd.s32 s4, s19  }
0x9c: {  	s7 =	simm.s32 $0x0;
	s20 =	sshll.u32 s5, $0x1;
	s5 =	sadd.s32 s21, s3  }
0x9d: {  	[timem:s7], [sflag:s22] =	dma.local [hbm:s5], s20  }
0x9e: {  	_ =	swait.ge [sflag:s22], s20  }
0x9f: {  	s4 =	ssub.s32 $0x0, s20;
	[sflag:s22] =	ssyncset.done $0x0  }
0xa0: {  	[sflag:s22] =	ssyncadd.s32 s4;
	_ =	sdelay $0x1  }
0xa1: {  	s23 =	simm.s32 $0x1B8B  }
0xa2: {  	_ =	swait.ge [sflag:s23], $0x1  }
0xa3: {  	[sflag:s23] =	ssyncset.done $0x0  }
0xa4: {  	s25 =	simm.s32 $0x1B8E;
	s24 =	sld [smem:$0x3FFE];
	[sflag:s23] =	ssyncadd.s32 $0xFFFFFFFF  }
0xa5: {  	s26 =	simm.s32 $execute0_lowered;
	[smem:$0x3FD2] =	sst s25  }
0xa6: {  	s5 =	sshll.u32 s26, $0x1;
	_ =	strace $0x80000046;
	[dreg:$0x1] =	wrdreg $0xFFFFFFFF  }
0xa7: {  	s28 =	simm.s32 $_size_execute0_lowered;
	s3 =	sadd.s32 s3, s5;
	[dreg:$0x0] =	wrdreg $0x0  }
0xa8: {  	s5 =	sshll.u32 s28, $0x1;
	[dreg:$0x2] =	wrdreg s3  }
0xa9: {  	[dreg:$0x3] =	wrdreg s5  }
0xaa: {  	[dreg:$0x4] =	wrdreg $0xC0  }
0xab: {  	_ =	task [dreg:s7], $0x5FFFF  }
0xac: {  	[dreg:$0x1] =	wrdreg $0xFFFFFFFF  }
0xad: {  	[dreg:$0x0] =	wrdreg $0x60  }
0xae: {  	[dreg:$0x2] =	wrdreg s2  }
0xaf: {  	[dreg:$0x3] =	wrdreg s24  }
0xb0: {  	[dreg:$0x4] =	wrdreg $0x9  }
0xb1: {  	_ =	task.clear_ibuf [dreg:s7], $0x5FFFF;
	_ =	strace $0x90000046  }
0xb2: {  	s29 =	simm.s32 $0x9;
	_ =	strace $0x80000048  }
0xb3: {  	_ =	swait.ge [sflag:s29], $0x1  }
0xb4: {  	[sflag:s29] =	ssyncadd.s32 $0xFFFFFFFF  }
0xb5: {  	_ =	strace $0x90000048  }
0xb6: {  	_ =	sfence  }
0xb7: {  	s30 =	sld [smem:$0x0];
	_ =	sdelay $0x2  }
0xb8: {  	s31 =	sshll.u32 s1, $0xD;
	s1 =	sshrl.u32 s1, $0x2  }
0xb9: {  	s3 =	sand.u32 $0x4000, s31;
	s1 =	sadd.s32 s1, s30  }
0xba: {  	s0 =	sor.u32 s3, s0;
	s1 =	sshll.u32 s1, $0x11  }
0xbb: {  	s0 =	sor.u32 s1, s0  }
0xbc: {  	s0 =	sadd.s32 $0x8F2B, s0  }
0xbd: {  	[sflag:s0] =	ssyncadd.remote.s32 $0x1  }
0xbe: {  	_ =	sfence.sel $0xFFFF  }
0xbf: {  	[dreg:$0x0] =	wrdreg $0xFFFFFFFF;
	(pc) =	sbr.abs _section_cstart, $3  }
0xc0: {  	[dreg:$0x1] =	wrdreg $0xFFFFFFFF  }
0xc1: {  	_ =	task.clear_ibuf [dreg:s7], $0x2FFFF;
	_ =	strace $0x9FFFFFFF  }
0xc2: {  	(tm) =	ssettm $0x7FFFFFFF  }
0xc3: {  	_ =	shalt  }
tec
execute0_lowered:
.L_overlay_start_1:
0x0: {  	(tag) =	ssettag $0x1  }
0x1: {  	s0 =	srdreg.scid;
	s1 =	rddreg [dreg:$0x0]  }
0x2: {  	s2 =	stileid.u32;
	s6 =	rddreg [dreg:$0x1];
	s26 =	simm.s32 $0x80  }
0x3: {  	s8 =	simm.s32 $0x2;
	s18 =	simm.s32 $0x1;
	s21 =	simm.s32 $0x1900  }
0x4: {  	s22 =	simm.s32 $0x2100;
	s23 =	simm.s32 $0x2900;
	s24 =	simm.s32 $0x3100  }
0x5: {  	s28 =	simm.s32 $0x4900;
	s29 =	simm.s32 $0x5100;
	s30 =	simm.s32 $0x5900  }
0x6: {  	s31 =	simm.s32 $0x6100;
	s10 =	simm.s32 $0x7900;
	s11 =	simm.s32 $0x8100  }
0x7: {  	s12 =	simm.s32 $0x8900;
	s13 =	simm.s32 $0x9100;
	s14 =	simm.s32 $0x9900  }
0x8: {  	s15 =	simm.s32 $0xA100;
	s16 =	simm.s32 $0xA900;
	s17 =	simm.s32 $0xB100  }
0x9: {  	s0 =	sand.u32 $0x1, s0;
	s3 =	sshll.u32 s2, $0x7;
	s2 =	simm.s32 $0x0  }
0xa: {  	s4 =	sshll.u32 s0, $0x6;
	[smem:$0x7FF] =	sst s2;
	s0 =	ssub.s32 $0x2, s0  }
0xb: {  	s4 =	sor.u32 s4, s3;
	_ =	strace $0x80000047;
	s25 =	sshrl.u32 s0, $0x1  }
0xc: {  	[dreg:$0x6] =	wrdreg s26;
	s3 =	sshrl.u32 s4, $0x3;
	s4 =	sshll.u32 s4, $0x7  }
0xd: {  	s26 =	simm.s32 $0x4100;
	s5 =	sadd.s32 s3, s6;
	s1 =	sadd.s32 s1, s4  }
0xe: {  	s0 =	ssub.s32 s0, s25;
	s7 =	sadd.s32 $0x2200, s5;
	[dreg:$0x5] =	wrdreg s1  }
0xf: {  	v2 =	vlaneseq.u32;
	s25 =	simm.s32 $0x3900;
	s5 =	sadd.s32 $0x2400, s5;
	[dreg:$0x3] =	wrdreg s7  }
0x10: {  	vm0 =	vmmov $0xffff;
	v1 =	vshrl.u32 v2, $0x3;
	s3 =	sadd.s32 $0x2600, s6;
	s4 =	sadd.s32 $0x2700, s6;
	[dreg:$0x4] =	wrdreg s5  }
0x11: {  	v0 =	vand.u32 $0x7, v2;
	v2 =	vor.u32 $0x8, v2;
	v1 =	vmul.u32 $0x8, v1;
	s5 =	sadd.s32 $0x2800, s6;
	s6 =	sadd.s32 $0x2900, s6;
	s7 =	smax.u32 s0, $0x1  }
.LBB2_1:
0x12: {  	s19 =	rddreg [dreg:$0x3]  }
0x13: {  	[tilespmem:s2], [sflag:$0x2] =	stream.linear.gather [hbm4b:s19+s2], $0x40, $0x38;
	[tilespmem:$0x10100] =	vst v63  }
0x14: {  	_ =	swait.ge [sflag:s8], $0x40  }
0x15: {  	s1 =	rddreg [dreg:$0x4];
	[sflag:s8] =	ssyncset.done $0x0  }
0x16: {  	s20 =	rddreg [dreg:$0x6];
	[sflag:s8] =	ssyncadd.s32 $0xFFFFFFC0  }
0x17: {  	[tilespmem:s20], [sflag:$0x2] =	stream.linear.gather [hbm4b:s1+s2], $0x40, $0x38;
	[tilespmem:$0x10100] =	vst v63  }
0x18: {  	_ =	swait.ge [sflag:s8], $0x40  }
0x19: {  	[sflag:s8] =	ssyncset.done $0x0  }
0x1a: {  	s0 =	simm.s32 $0x100;
	s9 =	rddreg [dreg:$0x5];
	[sflag:s8] =	ssyncadd.s32 $0xFFFFFFC0  }
0x1b: {  	[tilespmem:s0], [sflag:$0x2] =	stream.linear.gather [hbm4b:s9+s2], $0x10000, $0x38;
	[tilespmem:$0x10100] =	vst v63  }
0x1c: {  	_ =	swait.ge [sflag:s8], $0x10000  }
0x1d: {  	[sflag:s8] =	ssyncset.done $0x0  }
0x1e: {  	[sflag:s8] =	ssyncadd.s32 $0xFFFF0000  }
0x1f: {  	v3 =	vld [tilespmem:$0x0];
	_ =	sdelay $0x4  }
0x20: {  	v4 =	vshll.u32 v3, $0x3  }
0x21: {  	v3 =	vand.u32 $0x7, v3;
	v4 =	vand.u32 $0xFFFFFFC0, v4  }
0x22: {  	v3 =	vor.u32 v3, v4  }
0x23: {  	v4 =	vperm.xlane v3, v0;
	_ =	sdelay $0x1  }
0x24: {  	v4 =	vadd.s32 v1, v4;
	_ =	sdelay $0x4  }
0x25: {  	[hbm4b:s3+s2] =	stream.indirect_vreg.scatter [tilespmem:s0], [sflag:$0x1], $0x80, v4, vm0, $0xb8;
	[tilespmem:$0x10100] =	vst v63  }
0x26: {  	s19 =	simm.s32 $0x900;
	v3 =	vperm.xlane v3, v2  }
0x27: {  	[hbm4b:s4+s2] =	stream.indirect_vreg.scatter [tilespmem:s19], [sflag:$0x1], $0x80, v4, vm0, $0xb8;
	[tilespmem:$0x10100] =	vst v63  }
0x28: {  	s20 =	simm.s32 $0x1100;
	v3 =	vadd.s32 v1, v3  }
0x29: {  	[hbm4b:s5+s2] =	stream.indirect_vreg.scatter [tilespmem:s20], [sflag:$0x1], $0x80, v4, vm0, $0xb8;
	[tilespmem:$0x10100] =	vst v63  }
0x2a: {  	_ = 	snop  }
0x2b: {  	[hbm4b:s6+s2] =	stream.indirect_vreg.scatter [tilespmem:s21], [sflag:$0x1], $0x80, v4, vm0, $0xb8;
	[tilespmem:$0x10100] =	vst v63  }
0x2c: {  	_ = 	snop  }
0x2d: {  	[hbm4b:s3+s2] =	stream.indirect_vreg.scatter [tilespmem:s22], [sflag:$0x1], $0x80, v3, vm0, $0xb8;
	[tilespmem:$0x10100] =	vst v63  }
0x2e: {  	_ = 	snop  }
0x2f: {  	[hbm4b:s4+s2] =	stream.indirect_vreg.scatter [tilespmem:s23], [sflag:$0x1], $0x80, v3, vm0, $0xb8;
	[tilespmem:$0x10100] =	vst v63  }
0x30: {  	_ = 	snop  }
0x31: {  	[hbm4b:s5+s2] =	stream.indirect_vreg.scatter [tilespmem:s24], [sflag:$0x1], $0x80, v3, vm0, $0xb8;
	[tilespmem:$0x10100] =	vst v63  }
0x32: {  	_ = 	snop  }
0x33: {  	[hbm4b:s6+s2] =	stream.indirect_vreg.scatter [tilespmem:s25], [sflag:$0x1], $0x80, v3, vm0, $0xb8;
	[tilespmem:$0x10100] =	vst v63  }
0x34: {  	v3 =	vld [tilespmem:$0x10];
	_ =	sdelay $0x4  }
0x35: {  	v57 =	vshll.u32 v3, $0x3  }
0x36: {  	v3 =	vand.u32 $0x7, v3;
	v4 =	vand.u32 $0xFFFFFFC0, v57  }
0x37: {  	v3 =	vor.u32 v3, v4  }
0x38: {  	v4 =	vperm.xlane v3, v0;
	_ =	sdelay $0x1  }
0x39: {  	v4 =	vadd.s32 v1, v4;
	_ =	sdelay $0x4  }
0x3a: {  	[hbm4b:s3+s2] =	stream.indirect_vreg.scatter [tilespmem:s26], [sflag:$0x1], $0x80, v4, vm0, $0xb8;
	[tilespmem:$0x10100] =	vst v63  }
0x3b: {  	v3 =	vperm.xlane v3, v2  }
0x3c: {  	[hbm4b:s4+s2] =	stream.indirect_vreg.scatter [tilespmem:s28], [sflag:$0x1], $0x80, v4, vm0, $0xb8;
	[tilespmem:$0x10100] =	vst v63  }
0x3d: {  	v3 =	vadd.s32 v1, v3  }
0x3e: {  	[hbm4b:s5+s2] =	stream.indirect_vreg.scatter [tilespmem:s29], [sflag:$0x1], $0x80, v4, vm0, $0xb8;
	[tilespmem:$0x10100] =	vst v63  }
0x3f: {  	_ = 	snop  }
0x40: {  	[hbm4b:s6+s2] =	stream.indirect_vreg.scatter [tilespmem:s30], [sflag:$0x1], $0x80, v4, vm0, $0xb8;
	[tilespmem:$0x10100] =	vst v63  }
0x41: {  	_ = 	snop  }
0x42: {  	[hbm4b:s3+s2] =	stream.indirect_vreg.scatter [tilespmem:s31], [sflag:$0x1], $0x80, v3, vm0, $0xb8;
	[tilespmem:$0x10100] =	vst v63  }
0x43: {  	s1 =	simm.s32 $0x6900  }
0x44: {  	[hbm4b:s4+s2] =	stream.indirect_vreg.scatter [tilespmem:s1], [sflag:$0x1], $0x80, v3, vm0, $0xb8;
	[tilespmem:$0x10100] =	vst v63  }
0x45: {  	s9 =	simm.s32 $0x7100  }
0x46: {  	[hbm4b:s5+s2] =	stream.indirect_vreg.scatter [tilespmem:s9], [sflag:$0x1], $0x80, v3, vm0, $0xb8;
	[tilespmem:$0x10100] =	vst v63  }
0x47: {  	_ = 	snop  }
0x48: {  	[hbm4b:s6+s2] =	stream.indirect_vreg.scatter [tilespmem:s10], [sflag:$0x1], $0x80, v3, vm0, $0xb8;
	[tilespmem:$0x10100] =	vst v63  }
0x49: {  	v3 =	vld [tilespmem:$0x20];
	_ =	sdelay $0x4  }
0x4a: {  	v58 =	vshll.u32 v3, $0x3  }
0x4b: {  	v3 =	vand.u32 $0x7, v3;
	v4 =	vand.u32 $0xFFFFFFC0, v58  }
0x4c: {  	v3 =	vor.u32 v3, v4  }
0x4d: {  	v4 =	vperm.xlane v3, v0;
	_ =	sdelay $0x1  }
0x4e: {  	v4 =	vadd.s32 v1, v4;
	_ =	sdelay $0x4  }
0x4f: {  	[hbm4b:s3+s2] =	stream.indirect_vreg.scatter [tilespmem:s11], [sflag:$0x1], $0x80, v4, vm0, $0xb8;
	[tilespmem:$0x10100] =	vst v63  }
0x50: {  	v3 =	vperm.xlane v3, v2  }
0x51: {  	[hbm4b:s4+s2] =	stream.indirect_vreg.scatter [tilespmem:s12], [sflag:$0x1], $0x80, v4, vm0, $0xb8;
	[tilespmem:$0x10100] =	vst v63  }
0x52: {  	v3 =	vadd.s32 v1, v3  }
0x53: {  	[hbm4b:s5+s2] =	stream.indirect_vreg.scatter [tilespmem:s13], [sflag:$0x1], $0x80, v4, vm0, $0xb8;
	[tilespmem:$0x10100] =	vst v63  }
0x54: {  	_ = 	snop  }
0x55: {  	[hbm4b:s6+s2] =	stream.indirect_vreg.scatter [tilespmem:s14], [sflag:$0x1], $0x80, v4, vm0, $0xb8;
	[tilespmem:$0x10100] =	vst v63  }
0x56: {  	_ = 	snop  }
0x57: {  	[hbm4b:s3+s2] =	stream.indirect_vreg.scatter [tilespmem:s15], [sflag:$0x1], $0x80, v3, vm0, $0xb8;
	[tilespmem:$0x10100] =	vst v63  }
0x58: {  	_ = 	snop  }
0x59: {  	[hbm4b:s4+s2] =	stream.indirect_vreg.scatter [tilespmem:s16], [sflag:$0x1], $0x80, v3, vm0, $0xb8;
	[tilespmem:$0x10100] =	vst v63  }
0x5a: {  	_ = 	snop  }
0x5b: {  	[hbm4b:s5+s2] =	stream.indirect_vreg.scatter [tilespmem:s17], [sflag:$0x1], $0x80, v3, vm0, $0xb8;
	[tilespmem:$0x10100] =	vst v63  }
0x5c: {  	s9 =	simm.s32 $0xB900  }
0x5d: {  	[hbm4b:s6+s2] =	stream.indirect_vreg.scatter [tilespmem:s9], [sflag:$0x1], $0x80, v3, vm0, $0xb8;
	[tilespmem:$0x10100] =	vst v63  }
0x5e: {  	v3 =	vld [tilespmem:$0x30];
	_ =	sdelay $0x4  }
0x5f: {  	v59 =	vshll.u32 v3, $0x3  }
0x60: {  	v3 =	vand.u32 $0x7, v3;
	v4 =	vand.u32 $0xFFFFFFC0, v59  }
0x61: {  	v3 =	vor.u32 v3, v4  }
0x62: {  	v4 =	vperm.xlane v3, v0;
	_ =	sdelay $0x1  }
0x63: {  	v4 =	vadd.s32 v1, v4;
	_ =	sdelay $0x3  }
0x64: {  	s1 =	simm.s32 $0xC100  }
0x65: {  	[hbm4b:s3+s2] =	stream.indirect_vreg.scatter [tilespmem:s1], [sflag:$0x1], $0x80, v4, vm0, $0xb8;
	[tilespmem:$0x10100] =	vst v63  }
0x66: {  	v3 =	vperm.xlane v3, v2;
	s1 =	simm.s32 $0xC900  }
0x67: {  	[hbm4b:s4+s2] =	stream.indirect_vreg.scatter [tilespmem:s1], [sflag:$0x1], $0x80, v4, vm0, $0xb8;
	[tilespmem:$0x10100] =	vst v63  }
0x68: {  	v3 =	vadd.s32 v1, v3;
	s1 =	simm.s32 $0xD100  }
0x69: {  	[hbm4b:s5+s2] =	stream.indirect_vreg.scatter [tilespmem:s1], [sflag:$0x1], $0x80, v4, vm0, $0xb8;
	[tilespmem:$0x10100] =	vst v63  }
0x6a: {  	s1 =	simm.s32 $0xD900  }
0x6b: {  	[hbm4b:s6+s2] =	stream.indirect_vreg.scatter [tilespmem:s1], [sflag:$0x1], $0x80, v4, vm0, $0xb8;
	[tilespmem:$0x10100] =	vst v63  }
0x6c: {  	s1 =	simm.s32 $0xE100  }
0x6d: {  	[hbm4b:s3+s2] =	stream.indirect_vreg.scatter [tilespmem:s1], [sflag:$0x1], $0x80, v3, vm0, $0xb8;
	[tilespmem:$0x10100] =	vst v63  }
0x6e: {  	s1 =	simm.s32 $0xE900  }
0x6f: {  	[hbm4b:s4+s2] =	stream.indirect_vreg.scatter [tilespmem:s1], [sflag:$0x1], $0x80, v3, vm0, $0xb8;
	[tilespmem:$0x10100] =	vst v63  }
0x70: {  	s1 =	simm.s32 $0xF100  }
0x71: {  	[hbm4b:s5+s2] =	stream.indirect_vreg.scatter [tilespmem:s1], [sflag:$0x1], $0x80, v3, vm0, $0xb8;
	[tilespmem:$0x10100] =	vst v63  }
0x72: {  	s1 =	simm.s32 $0xF900  }
0x73: {  	[hbm4b:s6+s2] =	stream.indirect_vreg.scatter [tilespmem:s1], [sflag:$0x1], $0x80, v3, vm0, $0xb8;
	[tilespmem:$0x10100] =	vst v63  }
0x74: {  	_ =	swait.ge [sflag:s18], $0x10000  }
0x75: {  	[sflag:s18] =	ssyncset.done $0x0  }
0x76: {  	[sflag:s18] =	ssyncadd.s32 $0xFFFF0000  }
0x77: {  	v3 =	vld [tilespmem:$0x80];
	_ =	sdelay $0x4  }
0x78: {  	v60 =	vshll.u32 v3, $0x3  }
0x79: {  	v3 =	vand.u32 $0x7, v3;
	v4 =	vand.u32 $0xFFFFFFC0, v60  }
0x7a: {  	v3 =	vor.u32 v3, v4  }
0x7b: {  	v4 =	vperm.xlane v3, v0;
	_ =	sdelay $0x1  }
0x7c: {  	v4 =	vadd.s32 v1, v4;
	_ =	sdelay $0x4  }
0x7d: {  	[hbm4b:s3+s2] =	stream.indirect_vreg.scatter [tilespmem:s0], [sflag:$0x1], $0x80, v4, vm0, $0xb8;
	[tilespmem:$0x10100] =	vst v63  }
0x7e: {  	v3 =	vperm.xlane v3, v2  }
0x7f: {  	[hbm4b:s4+s2] =	stream.indirect_vreg.scatter [tilespmem:s19], [sflag:$0x1], $0x80, v4, vm0, $0xb8;
	[tilespmem:$0x10100] =	vst v63  }
0x80: {  	v3 =	vadd.s32 v1, v3  }
0x81: {  	[hbm4b:s5+s2] =	stream.indirect_vreg.scatter [tilespmem:s20], [sflag:$0x1], $0x80, v4, vm0, $0xb8;
	[tilespmem:$0x10100] =	vst v63  }
0x82: {  	_ = 	snop  }
0x83: {  	[hbm4b:s6+s2] =	stream.indirect_vreg.scatter [tilespmem:s21], [sflag:$0x1], $0x80, v4, vm0, $0xb8;
	[tilespmem:$0x10100] =	vst v63  }
0x84: {  	_ = 	snop  }
0x85: {  	[hbm4b:s3+s2] =	stream.indirect_vreg.scatter [tilespmem:s22], [sflag:$0x1], $0x80, v3, vm0, $0xb8;
	[tilespmem:$0x10100] =	vst v63  }
0x86: {  	_ = 	snop  }
0x87: {  	[hbm4b:s4+s2] =	stream.indirect_vreg.scatter [tilespmem:s23], [sflag:$0x1], $0x80, v3, vm0, $0xb8;
	[tilespmem:$0x10100] =	vst v63  }
0x88: {  	_ = 	snop  }
0x89: {  	[hbm4b:s5+s2] =	stream.indirect_vreg.scatter [tilespmem:s24], [sflag:$0x1], $0x80, v3, vm0, $0xb8;
	[tilespmem:$0x10100] =	vst v63  }
0x8a: {  	_ = 	snop  }
0x8b: {  	[hbm4b:s6+s2] =	stream.indirect_vreg.scatter [tilespmem:s25], [sflag:$0x1], $0x80, v3, vm0, $0xb8;
	[tilespmem:$0x10100] =	vst v63  }
0x8c: {  	v3 =	vld [tilespmem:$0x90];
	_ =	sdelay $0x4  }
0x8d: {  	v61 =	vshll.u32 v3, $0x3  }
0x8e: {  	v3 =	vand.u32 $0x7, v3;
	v4 =	vand.u32 $0xFFFFFFC0, v61  }
0x8f: {  	v3 =	vor.u32 v3, v4  }
0x90: {  	v4 =	vperm.xlane v3, v0;
	_ =	sdelay $0x1  }
0x91: {  	v4 =	vadd.s32 v1, v4;
	_ =	sdelay $0x4  }
0x92: {  	[hbm4b:s3+s2] =	stream.indirect_vreg.scatter [tilespmem:s26], [sflag:$0x1], $0x80, v4, vm0, $0xb8;
	[tilespmem:$0x10100] =	vst v63  }
0x93: {  	v3 =	vperm.xlane v3, v2  }
0x94: {  	[hbm4b:s4+s2] =	stream.indirect_vreg.scatter [tilespmem:s28], [sflag:$0x1], $0x80, v4, vm0, $0xb8;
	[tilespmem:$0x10100] =	vst v63  }
0x95: {  	v3 =	vadd.s32 v1, v3  }
0x96: {  	[hbm4b:s5+s2] =	stream.indirect_vreg.scatter [tilespmem:s29], [sflag:$0x1], $0x80, v4, vm0, $0xb8;
	[tilespmem:$0x10100] =	vst v63  }
0x97: {  	_ = 	snop  }
0x98: {  	[hbm4b:s6+s2] =	stream.indirect_vreg.scatter [tilespmem:s30], [sflag:$0x1], $0x80, v4, vm0, $0xb8;
	[tilespmem:$0x10100] =	vst v63  }
0x99: {  	_ = 	snop  }
0x9a: {  	[hbm4b:s3+s2] =	stream.indirect_vreg.scatter [tilespmem:s31], [sflag:$0x1], $0x80, v3, vm0, $0xb8;
	[tilespmem:$0x10100] =	vst v63  }
0x9b: {  	s20 =	simm.s32 $0x6900  }
0x9c: {  	[hbm4b:s4+s2] =	stream.indirect_vreg.scatter [tilespmem:s20], [sflag:$0x1], $0x80, v3, vm0, $0xb8;
	[tilespmem:$0x10100] =	vst v63  }
0x9d: {  	s19 =	simm.s32 $0x7100  }
0x9e: {  	[hbm4b:s5+s2] =	stream.indirect_vreg.scatter [tilespmem:s19], [sflag:$0x1], $0x80, v3, vm0, $0xb8;
	[tilespmem:$0x10100] =	vst v63  }
0x9f: {  	_ = 	snop  }
0xa0: {  	[hbm4b:s6+s2] =	stream.indirect_vreg.scatter [tilespmem:s10], [sflag:$0x1], $0x80, v3, vm0, $0xb8;
	[tilespmem:$0x10100] =	vst v63  }
0xa1: {  	v3 =	vld [tilespmem:$0xA0];
	_ =	sdelay $0x4  }
0xa2: {  	v62 =	vshll.u32 v3, $0x3  }
0xa3: {  	v3 =	vand.u32 $0x7, v3;
	v4 =	vand.u32 $0xFFFFFFC0, v62  }
0xa4: {  	v3 =	vor.u32 v3, v4  }
0xa5: {  	v4 =	vperm.xlane v3, v0;
	_ =	sdelay $0x1  }
0xa6: {  	v4 =	vadd.s32 v1, v4;
	_ =	sdelay $0x4  }
0xa7: {  	[hbm4b:s3+s2] =	stream.indirect_vreg.scatter [tilespmem:s11], [sflag:$0x1], $0x80, v4, vm0, $0xb8;
	[tilespmem:$0x10100] =	vst v63  }
0xa8: {  	v3 =	vperm.xlane v3, v2  }
0xa9: {  	[hbm4b:s4+s2] =	stream.indirect_vreg.scatter [tilespmem:s12], [sflag:$0x1], $0x80, v4, vm0, $0xb8;
	[tilespmem:$0x10100] =	vst v63  }
0xaa: {  	v3 =	vadd.s32 v1, v3  }
0xab: {  	[hbm4b:s5+s2] =	stream.indirect_vreg.scatter [tilespmem:s13], [sflag:$0x1], $0x80, v4, vm0, $0xb8;
	[tilespmem:$0x10100] =	vst v63  }
0xac: {  	_ = 	snop  }
0xad: {  	[hbm4b:s6+s2] =	stream.indirect_vreg.scatter [tilespmem:s14], [sflag:$0x1], $0x80, v4, vm0, $0xb8;
	[tilespmem:$0x10100] =	vst v63  }
0xae: {  	_ = 	snop  }
0xaf: {  	[hbm4b:s3+s2] =	stream.indirect_vreg.scatter [tilespmem:s15], [sflag:$0x1], $0x80, v3, vm0, $0xb8;
	[tilespmem:$0x10100] =	vst v63  }
0xb0: {  	_ = 	snop  }
0xb1: {  	[hbm4b:s4+s2] =	stream.indirect_vreg.scatter [tilespmem:s16], [sflag:$0x1], $0x80, v3, vm0, $0xb8;
	[tilespmem:$0x10100] =	vst v63  }
0xb2: {  	_ = 	snop  }
0xb3: {  	[hbm4b:s5+s2] =	stream.indirect_vreg.scatter [tilespmem:s17], [sflag:$0x1], $0x80, v3, vm0, $0xb8;
	[tilespmem:$0x10100] =	vst v63  }
0xb4: {  	_ = 	snop  }
0xb5: {  	[hbm4b:s6+s2] =	stream.indirect_vreg.scatter [tilespmem:s9], [sflag:$0x1], $0x80, v3, vm0, $0xb8;
	[tilespmem:$0x10100] =	vst v63  }
0xb6: {  	v3 =	vld [tilespmem:$0xB0];
	_ =	sdelay $0x4  }
0xb7: {  	v63 =	vshll.u32 v3, $0x3  }
0xb8: {  	v3 =	vand.u32 $0x7, v3;
	v4 =	vand.u32 $0xFFFFFFC0, v63  }
0xb9: {  	v3 =	vor.u32 v3, v4  }
0xba: {  	v4 =	vperm.xlane v3, v0;
	_ =	sdelay $0x1  }
0xbb: {  	v4 =	vadd.s32 v1, v4;
	_ =	sdelay $0x3  }
0xbc: {  	s20 =	simm.s32 $0xC100  }
0xbd: {  	[hbm4b:s3+s2] =	stream.indirect_vreg.scatter [tilespmem:s20], [sflag:$0x1], $0x80, v4, vm0, $0xb8;
	[tilespmem:$0x10100] =	vst v63  }
0xbe: {  	s9 =	simm.s32 $0xC900;
	v3 =	vperm.xlane v3, v2  }
0xbf: {  	[hbm4b:s4+s2] =	stream.indirect_vreg.scatter [tilespmem:s9], [sflag:$0x1], $0x80, v4, vm0, $0xb8;
	[tilespmem:$0x10100] =	vst v63  }
0xc0: {  	s19 =	simm.s32 $0xD100;
	v3 =	vadd.s32 v1, v3  }
0xc1: {  	[hbm4b:s5+s2] =	stream.indirect_vreg.scatter [tilespmem:s19], [sflag:$0x1], $0x80, v4, vm0, $0xb8;
	[tilespmem:$0x10100] =	vst v63  }
0xc2: {  	s20 =	simm.s32 $0xD900  }
0xc3: {  	[hbm4b:s6+s2] =	stream.indirect_vreg.scatter [tilespmem:s20], [sflag:$0x1], $0x80, v4, vm0, $0xb8;
	[tilespmem:$0x10100] =	vst v63  }
0xc4: {  	s9 =	simm.s32 $0xE100  }
0xc5: {  	[hbm4b:s3+s2] =	stream.indirect_vreg.scatter [tilespmem:s9], [sflag:$0x1], $0x80, v3, vm0, $0xb8;
	[tilespmem:$0x10100] =	vst v63  }
0xc6: {  	s19 =	simm.s32 $0xE900  }
0xc7: {  	[hbm4b:s4+s2] =	stream.indirect_vreg.scatter [tilespmem:s19], [sflag:$0x1], $0x80, v3, vm0, $0xb8;
	[tilespmem:$0x10100] =	vst v63  }
0xc8: {  	p0 =	sne.s32 s7, $0x1;
	s20 =	simm.s32 $0xF100  }
0xc9: {  	[hbm4b:s5+s2] =	stream.indirect_vreg.scatter [tilespmem:s20], [sflag:$0x1], $0x80, v3, vm0, $0xb8;
	[tilespmem:$0x10100] =	vst v63  }
.Ltmp0:
0xca: {  	_ = 	snop;
	(pc) =	sbr.rel @p0 .LBB2_1-.Ltmp0, $4  }
0xcb: {  	[hbm4b:s6+s2] =	stream.indirect_vreg.scatter [tilespmem:s1], [sflag:$0x1], $0x80, v3, vm0, $0xb8;
	[tilespmem:$0x10100] =	vst v63  }
0xcc: {  	_ =	swait.ge [sflag:s18], $0x10000  }
0xcd: {  	[sflag:s18] =	ssyncset.done $0x0  }
0xce: {  	s7 =	sadd.s32 $0xFFFFFFFF, s7;
	[sflag:s18] =	ssyncadd.s32 $0xFFFF0000  }
0xcf: {  	_ =	sfence.sel $0x180000  }
0xd0: {  	[bflag:$0x0] =	sbarrier.arrive $0xFFFF  }
0xd1: {  	_ =	strace $0x90000047  }
0xd2: {  	s0 =	stileid.u32;
	[bflag:$0x2] =	sbarrier.arrive $0xFFFF  }
0xd3: {  	p0 =	sne.s32 s0, $0x0;
	s0 =	rddreg [dreg:$0x2]  }
0xd4: {  	s0 =	sadd.s32 @!p0 $0x100000, s0  }
0xd5: {  	[sflag:s0] =	ssyncadd.tile.s32 @!p0 $0x1;
	_ =	shalt  }
.Lfunc_end2:
_tile_overlayer_lowered:
.L_overlay_start_2:
0xd6: {  	(tag) =	ssettag $0x2  }
0xd7: {  	s0 =	rddreg [dreg:$0x0];
	s2 =	stileid.u32  }
0xd8: {  	s1 =	rddreg [dreg:$0x1];
	p0 =	sne.s32 s2, $0x0  }
0xd9: {  	s3 =	rddreg [dreg:$0x2];
	[bflag:$0x3] =	sbarrier.arrive $0xFFFF;
	s2 =	simm.s32 @!p0 $0x1C02  }
0xda: {  	[timem:s3], [sflag:s2] =	dma.local @!p0 [hbm:s0], s1  }
0xdb: {  	s0 =	simm.s32 @!p0 $0x2  }
0xdc: {  	_ =	swait.ge @!p0 [sflag:s0], s1  }
0xdd: {  	s1 =	ssub.s32 @!p0 $0x0, s1;
	[sflag:s0] =	ssyncset.done @!p0 $0x0  }
0xde: {  	[sflag:s0] =	ssyncadd.s32 @!p0 s1  }
0xdf: {  	[bflag:$0x3] =	sbarrier.arrive $0xFFFF  }
0xe0: {  	_ =	shalt  }

</sc_bundles>
